<compile_context>
chip_gen: v7x
topology: tpu7x:2x2x1
jax: 0.10.2.dev20260603
libtpu: 0.0.44.dev20260713+nightly
codegen_flags: <defaults>
</compile_context>

<pallas_src>
import functools

import jax
import jax.numpy as jnp
from jax import lax
from jax.experimental import pallas as pl
from jax.experimental.pallas import tpu as pltpu
from jax.experimental.pallas import tpu_sc as plsc



def _sc_gather(table, idx):
    V, D = table.shape
    N = idx.shape[0]
    info = plsc.get_sparse_core_info()
    NC, NS = info.num_cores, info.num_subcores
    NW = NC * NS
    n_per_w = N // NW
    CHUNK = 256
    n_chunks = n_per_w // CHUNK
    mesh = plsc.VectorSubcoreMesh(core_axis_name="c", subcore_axis_name="s")

    @functools.partial(
        pl.kernel, mesh=mesh,
        out_type=jax.ShapeDtypeStruct((N, D), jnp.float32),
        scratch_types=(
            [pltpu.VMEM((CHUNK,), jnp.int32)] * n_chunks
            + [pltpu.VMEM((CHUNK, D), jnp.float32)] * 2
            + [pltpu.SemaphoreType.DMA] * 2
        ),
    )
    def k(table_hbm, idx_hbm, out_hbm, *refs):
        idxs = refs[:n_chunks]
        rows = refs[n_chunks:n_chunks + 2]
        sems = refs[n_chunks + 2:]
        wid = lax.axis_index("s") * NC + lax.axis_index("c")
        base = wid * n_per_w
        for j in range(n_chunks):
            pltpu.sync_copy(idx_hbm.at[pl.ds(base + j * CHUNK, CHUNK)], idxs[j])
        cps = [None] * n_chunks
        for j in range(min(2, n_chunks)):
            cps[j] = pltpu.async_copy(table_hbm.at[idxs[j]], rows[j % 2],
                                      sems[j % 2])
        for j in range(n_chunks):
            cps[j].wait()
            pltpu.sync_copy(rows[j % 2], out_hbm.at[pl.ds(base + j * CHUNK, CHUNK)])
            if j + 2 < n_chunks:
                cps[j + 2] = pltpu.async_copy(table_hbm.at[idxs[j + 2]],
                                              rows[j % 2], sems[j % 2])

    return k(table, idx)



def _tc_body(x_ref, pa_in_ref, pa_w_ref, pa_b_ref, wrx_ref, wrpa_ref,
             red_b_ref, stw0_ref, stw1_ref, stb_ref, hw_ref, hb_ref,
             hpw_ref, hpb_ref, out_ref, *, dilations):
    T, C = x_ref.shape[1], x_ref.shape[2]
    NA = hw_ref.shape[1]
    f32 = jnp.float32
    x = x_ref[0]
    pos_amp = pa_in_ref[0]
    pa = jnp.dot(pos_amp, pa_w_ref[...], preferred_element_type=f32) + pa_b_ref[...]
    h = (jnp.dot(x, wrx_ref[...], preferred_element_type=f32)
         + jnp.dot(pa, wrpa_ref[...], preferred_element_type=f32)
         + red_b_ref[...])
    for i, d in enumerate(dilations):
        h_shift = jnp.concatenate([jnp.zeros((d, C), f32), h[:T - d, :]], axis=0)
        z = (jnp.dot(h_shift, stw0_ref[i], preferred_element_type=f32)
             + jnp.dot(h, stw1_ref[i], preferred_element_type=f32)
             + stb_ref[i:i + 1, :])
        z = jnp.where(z >= 0, z, 0.2 * z)
        h = h + z
    logits = jnp.dot(h.astype(jnp.bfloat16), hw_ref[...],
                     preferred_element_type=f32) + hb_ref[...]
    pa_out = jnp.dot(h, hpw_ref[...], preferred_element_type=f32) + hpb_ref[...]
    out_ref[0, :, :NA] = logits
    out_ref[0, :, NA:] = pa_out


def kernel(atoms, pos_amp, embed_table, pa_w, pa_b, reduce_w, reduce_b,
           stack_w, stack_b, head_atom_w, head_atom_b, head_pa_w, head_pa_b):
    B, T = atoms.shape
    NA, C = embed_table.shape
    dilations = (1, 3, 9, 27, 81, 1)

    idx = atoms.reshape(-1).astype(jnp.int32)
    x = _sc_gather(embed_table, idx).reshape(B, T, C)

    wrx = reduce_w[:, :C, 0].T
    wrpa = reduce_w[:, C:, 0].T
    stw0 = jnp.transpose(stack_w[..., 0], (0, 2, 1))
    stw1 = jnp.transpose(stack_w[..., 1], (0, 2, 1))
    pa_b2 = pa_b.reshape(1, C)
    red_b2 = reduce_b.reshape(1, C)
    hb2 = head_atom_b.reshape(1, NA)
    hpb2 = head_pa_b.reshape(1, 2)

    full = lambda shape: pl.BlockSpec(shape, lambda b: (0,) * len(shape))
    out = pl.pallas_call(
        functools.partial(_tc_body, dilations=dilations),
        grid=(B,),
        in_specs=[
            pl.BlockSpec((1, T, C), lambda b: (b, 0, 0)),
            pl.BlockSpec((1, T, 2), lambda b: (b, 0, 0)),
            full((2, C)),
            full((1, C)),
            full((C, C)),
            full((C, C)),
            full((1, C)),
            full((len(dilations), C, C)),
            full((len(dilations), C, C)),
            full((len(dilations), C)),
            full((C, NA)),
            full((1, NA)),
            full((C, 2)),
            full((1, 2)),
        ],
        out_specs=pl.BlockSpec((1, T, NA + 2), lambda b: (b, 0, 0)),
        out_shape=jax.ShapeDtypeStruct((B, T, NA + 2), jnp.float32),
        compiler_params=pltpu.CompilerParams(
            dimension_semantics=("parallel",)),
    )(x, pos_amp, pa_w, pa_b2, wrx, wrpa, red_b2, stw0, stw1, stack_b,
      head_atom_w.astype(jnp.bfloat16), hb2, head_pa_w, hpb2)
    return out

# --- scband reference (transcript-rebuilt; emitter-appended) ---
"""Pipeline reference for scband-predictor-28999619182888 (READ-ONLY COPY).

The authoritative reference and input builder live on the scoring server;
editing this copy changes nothing except your own understanding.
"""

import jax, jax.numpy as jnp
import numpy as np

B, T, C, NA = 32, 1024, 128, 3584
DILATIONS = (1, 3, 9, 27, 81, 1)


def setup_inputs(seed: int = 0) -> dict:
    key = jax.random.key(seed)
    ks = jax.random.split(key, 16)
    inp = {}
    inp['atoms'] = jax.random.randint(ks[0], (B, T), 0, NA, dtype=jnp.int64) if jax.config.read('jax_enable_x64') else jax.random.randint(ks[0], (B, T), 0, NA, dtype=jnp.int32)
    inp['pos_amp'] = jax.random.uniform(ks[1], (B, T, 2), dtype=jnp.float32)
    inp['embed_table'] = jax.random.normal(ks[2], (NA, C), dtype=jnp.float32) * 0.1
    inp['pa_w'] = jax.random.normal(ks[3], (2, C), dtype=jnp.float32) * 0.1
    inp['pa_b'] = jnp.zeros((C,), dtype=jnp.float32)
    inp['reduce_w'] = jax.random.normal(ks[4], (C, 2 * C, 1), dtype=jnp.float32) * 0.05
    inp['reduce_b'] = jnp.zeros((C,), dtype=jnp.float32)
    inp['stack_w'] = jax.random.normal(ks[5], (len(DILATIONS), C, C, 2), dtype=jnp.float32) * 0.05
    inp['stack_b'] = jnp.zeros((len(DILATIONS), C), dtype=jnp.float32)
    inp['head_atom_w'] = jax.random.normal(ks[6], (C, NA), dtype=jnp.float32) * 0.05
    inp['head_atom_b'] = jnp.zeros((NA,), dtype=jnp.float32)
    inp['head_pa_w'] = jax.random.normal(ks[7], (C, 2), dtype=jnp.float32) * 0.05
    inp['head_pa_b'] = jnp.zeros((2,), dtype=jnp.float32)
    return inp


def _dilated_causal_conv(h, w, b, d):
    z = jax.lax.conv_general_dilated(
        h, w, window_strides=(1,), padding=[(d, 0)], rhs_dilation=(d,),
        dimension_numbers=('NCH', 'OIH', 'NCH'))
    return z + b[None, :, None]


def reference(atoms, pos_amp, embed_table, pa_w, pa_b, reduce_w, reduce_b,
              stack_w, stack_b, head_atom_w, head_atom_b, head_pa_w, head_pa_b):
    # Embedding lookup over atom indices (SparseCore gather)
    x = jnp.take(embed_table, atoms, axis=0)            # [B, T, C]
    # Linear on (position, amplitude) pairs
    pa = pos_amp @ pa_w + pa_b                          # [B, T, C]
    h = jnp.concatenate([x, pa], axis=-1)               # [B, T, 2C]
    h = jnp.transpose(h, (0, 2, 1))                     # [B, 2C, T]
    # 1x1 conv channel reduction
    h = jax.lax.conv_general_dilated(
        h, reduce_w, window_strides=(1,), padding=[(0, 0)],
        dimension_numbers=('NCH', 'OIH', 'NCH')) + reduce_b[None, :, None]
    # Dilated residual stack
    for i, d in enumerate(DILATIONS):
        z = _dilated_causal_conv(h, stack_w[i], stack_b[i], d)
        z = jax.nn.leaky_relu(z, 0.2)
        h = h + z
    h = jnp.transpose(h, (0, 2, 1))                     # [B, T, C]
    atom_logits = h @ head_atom_w + head_atom_b         # [B, T, NA]
    pa_out = h @ head_pa_w + head_pa_b                  # [B, T, 2]
    return jnp.concatenate([atom_logits, pa_out], axis=-1)  # [B, T, NA+2]

if __name__ == "__main__":
    import jax
    _d = setup_inputs()
    print(jax.jit(kernel)(*tuple(_d.values())))

</pallas_src>

<mosaic_0001>
#map = affine_map<(d0, d1) -> (0, 0)>
#map1 = affine_map<(d0, d1) -> (0)>
module attributes {stable_mosaic.version = 14 : i64} {
  func.func @k(%arg0: i32, %arg1: i32, %arg2: memref<3584x128xf32, #tpu.memory_space<hbm>>, %arg3: memref<32768xi32, #tpu.memory_space<hbm>>, %arg4: memref<32768x128xf32, #tpu.memory_space<hbm>>, %arg5: memref<256xi32, #tpu.memory_space<vmem>>, %arg6: memref<256xi32, #tpu.memory_space<vmem>>, %arg7: memref<256xi32, #tpu.memory_space<vmem>>, %arg8: memref<256xi32, #tpu.memory_space<vmem>>, %arg9: memref<256x128xf32, #tpu.memory_space<vmem>>, %arg10: memref<256x128xf32, #tpu.memory_space<vmem>>, %arg11: memref<!tpu.dma_semaphore, #tpu.memory_space<semaphore_mem>>, %arg12: memref<!tpu.dma_semaphore, #tpu.memory_space<semaphore_mem>>) attributes {dimension_semantics = [#tpu.dimension_semantics<core_parallel>, #tpu.dimension_semantics<subcore_parallel>], iteration_bounds = array<i64: 2, 16>, scalar_prefetch = 0 : i64, scratch_operands = 8 : i64, tpu.core_type = #tpu.core_type<sc_vector_subcore>, window_params = [{transform_indices = #map}, {transform_indices = #map1}, {transform_indices = #map}]} {
    %mul3A = arith.constant 2 : i32
    %mul3A_0 = arith.muli %arg1, %mul3A : i32
    %add3A = arith.addi %mul3A_0, %arg0 : i32
    %mul3A_1 = arith.constant 1024 : i32
    %mul3A_2 = arith.muli %add3A, %mul3A_1 : i32
    %add3A_3 = arith.constant 0 : i32
    %add3A_4 = arith.addi %mul3A_2, %add3A_3 : i32
    "tpu.region"() ({
      %run_scoped3A = tpu.sem_alloc : memref<!tpu.dma_semaphore, #tpu.memory_space<semaphore_mem>>
      %dma_start3A_41 = tpu.memref_slice %arg3[%add3A_4] : memref<32768xi32, #tpu.memory_space<hbm>> -> memref<256xi32, #tpu.memory_space<hbm>>
      %dma_start3A_42 = tpu.memref_slice %arg3[%add3A_4] : memref<32768xi32, #tpu.memory_space<hbm>> -> memref<256xi32, #tpu.memory_space<hbm>>
      tpu.enqueue_dma source(%dma_start3A_42 : memref<256xi32, #tpu.memory_space<hbm>>) target(%arg5 : memref<256xi32, #tpu.memory_space<vmem>>) target_semaphore(%run_scoped3A : memref<!tpu.dma_semaphore, #tpu.memory_space<semaphore_mem>>)
      %dma_wait3A_43 = tpu.memref_slice %arg3[%add3A_4] : memref<32768xi32, #tpu.memory_space<hbm>> -> memref<256xi32, #tpu.memory_space<hbm>>
      %dma_wait3A_44 = tpu.memref_slice %arg3[%add3A_4] : memref<32768xi32, #tpu.memory_space<hbm>> -> memref<256xi32, #tpu.memory_space<hbm>>
      tpu.wait_dma2 semaphore(%run_scoped3A : memref<!tpu.dma_semaphore, #tpu.memory_space<semaphore_mem>>) src(%dma_wait3A_44 : memref<256xi32, #tpu.memory_space<hbm>>) dst(%arg5 : memref<256xi32, #tpu.memory_space<vmem>>)
      tpu.yield
    }) : () -> ()
    %add3A_5 = arith.constant 256 : i32
    %add3A_6 = arith.addi %mul3A_2, %add3A_5 : i32
    "tpu.region"() ({
      %run_scoped3A = tpu.sem_alloc : memref<!tpu.dma_semaphore, #tpu.memory_space<semaphore_mem>>
      %dma_start3A_41 = tpu.memref_slice %arg3[%add3A_6] : memref<32768xi32, #tpu.memory_space<hbm>> -> memref<256xi32, #tpu.memory_space<hbm>>
      %dma_start3A_42 = tpu.memref_slice %arg3[%add3A_6] : memref<32768xi32, #tpu.memory_space<hbm>> -> memref<256xi32, #tpu.memory_space<hbm>>
      tpu.enqueue_dma source(%dma_start3A_42 : memref<256xi32, #tpu.memory_space<hbm>>) target(%arg6 : memref<256xi32, #tpu.memory_space<vmem>>) target_semaphore(%run_scoped3A : memref<!tpu.dma_semaphore, #tpu.memory_space<semaphore_mem>>)
      %dma_wait3A_43 = tpu.memref_slice %arg3[%add3A_6] : memref<32768xi32, #tpu.memory_space<hbm>> -> memref<256xi32, #tpu.memory_space<hbm>>
      %dma_wait3A_44 = tpu.memref_slice %arg3[%add3A_6] : memref<32768xi32, #tpu.memory_space<hbm>> -> memref<256xi32, #tpu.memory_space<hbm>>
      tpu.wait_dma2 semaphore(%run_scoped3A : memref<!tpu.dma_semaphore, #tpu.memory_space<semaphore_mem>>) src(%dma_wait3A_44 : memref<256xi32, #tpu.memory_space<hbm>>) dst(%arg6 : memref<256xi32, #tpu.memory_space<vmem>>)
      tpu.yield
    }) : () -> ()
    %add3A_7 = arith.constant 512 : i32
    %add3A_8 = arith.addi %mul3A_2, %add3A_7 : i32
    "tpu.region"() ({
      %run_scoped3A = tpu.sem_alloc : memref<!tpu.dma_semaphore, #tpu.memory_space<semaphore_mem>>
      %dma_start3A_41 = tpu.memref_slice %arg3[%add3A_8] : memref<32768xi32, #tpu.memory_space<hbm>> -> memref<256xi32, #tpu.memory_space<hbm>>
      %dma_start3A_42 = tpu.memref_slice %arg3[%add3A_8] : memref<32768xi32, #tpu.memory_space<hbm>> -> memref<256xi32, #tpu.memory_space<hbm>>
      tpu.enqueue_dma source(%dma_start3A_42 : memref<256xi32, #tpu.memory_space<hbm>>) target(%arg7 : memref<256xi32, #tpu.memory_space<vmem>>) target_semaphore(%run_scoped3A : memref<!tpu.dma_semaphore, #tpu.memory_space<semaphore_mem>>)
      %dma_wait3A_43 = tpu.memref_slice %arg3[%add3A_8] : memref<32768xi32, #tpu.memory_space<hbm>> -> memref<256xi32, #tpu.memory_space<hbm>>
      %dma_wait3A_44 = tpu.memref_slice %arg3[%add3A_8] : memref<32768xi32, #tpu.memory_space<hbm>> -> memref<256xi32, #tpu.memory_space<hbm>>
      tpu.wait_dma2 semaphore(%run_scoped3A : memref<!tpu.dma_semaphore, #tpu.memory_space<semaphore_mem>>) src(%dma_wait3A_44 : memref<256xi32, #tpu.memory_space<hbm>>) dst(%arg7 : memref<256xi32, #tpu.memory_space<vmem>>)
      tpu.yield
    }) : () -> ()
    %add3A_9 = arith.constant 768 : i32
    %add3A_10 = arith.addi %mul3A_2, %add3A_9 : i32
    "tpu.region"() ({
      %run_scoped3A = tpu.sem_alloc : memref<!tpu.dma_semaphore, #tpu.memory_space<semaphore_mem>>
      %dma_start3A_41 = tpu.memref_slice %arg3[%add3A_10] : memref<32768xi32, #tpu.memory_space<hbm>> -> memref<256xi32, #tpu.memory_space<hbm>>
      %dma_start3A_42 = tpu.memref_slice %arg3[%add3A_10] : memref<32768xi32, #tpu.memory_space<hbm>> -> memref<256xi32, #tpu.memory_space<hbm>>
      tpu.enqueue_dma source(%dma_start3A_42 : memref<256xi32, #tpu.memory_space<hbm>>) target(%arg8 : memref<256xi32, #tpu.memory_space<vmem>>) target_semaphore(%run_scoped3A : memref<!tpu.dma_semaphore, #tpu.memory_space<semaphore_mem>>)
      %dma_wait3A_43 = tpu.memref_slice %arg3[%add3A_10] : memref<32768xi32, #tpu.memory_space<hbm>> -> memref<256xi32, #tpu.memory_space<hbm>>
      %dma_wait3A_44 = tpu.memref_slice %arg3[%add3A_10] : memref<32768xi32, #tpu.memory_space<hbm>> -> memref<256xi32, #tpu.memory_space<hbm>>
      tpu.wait_dma2 semaphore(%run_scoped3A : memref<!tpu.dma_semaphore, #tpu.memory_space<semaphore_mem>>) src(%dma_wait3A_44 : memref<256xi32, #tpu.memory_space<hbm>>) dst(%arg8 : memref<256xi32, #tpu.memory_space<vmem>>)
      tpu.yield
    }) : () -> ()
    %dma_start3A = arith.constant 0 : i32
    %dma_start3A_11 = arith.constant 0 : i32
    %dma_start3A_12 = tpu.memref_slice %arg2[%dma_start3A, %dma_start3A_11] : memref<3584x128xf32, #tpu.memory_space<hbm>> -> memref<3584x128xf32, #tpu.memory_space<hbm>>
    tpu.enqueue_indirect_dma source(%dma_start3A_12 : memref<3584x128xf32, #tpu.memory_space<hbm>>) target(%arg9 : memref<256x128xf32, #tpu.memory_space<vmem>>) offsets(%arg5 : memref<256xi32, #tpu.memory_space<vmem>>) semaphore(%arg11 : memref<!tpu.dma_semaphore, #tpu.memory_space<semaphore_mem>>)
    %dma_start3A_13 = arith.constant 0 : i32
    %dma_start3A_14 = arith.constant 0 : i32
    %dma_start3A_15 = tpu.memref_slice %arg2[%dma_start3A_13, %dma_start3A_14] : memref<3584x128xf32, #tpu.memory_space<hbm>> -> memref<3584x128xf32, #tpu.memory_space<hbm>>
    tpu.enqueue_indirect_dma source(%dma_start3A_15 : memref<3584x128xf32, #tpu.memory_space<hbm>>) target(%arg10 : memref<256x128xf32, #tpu.memory_space<vmem>>) offsets(%arg6 : memref<256xi32, #tpu.memory_space<vmem>>) semaphore(%arg12 : memref<!tpu.dma_semaphore, #tpu.memory_space<semaphore_mem>>)
    %dma_wait3A = arith.constant 0 : i32
    %dma_wait3A_16 = arith.constant 0 : i32
    %dma_wait3A_17 = tpu.memref_slice %arg2[%dma_wait3A, %dma_wait3A_16] : memref<3584x128xf32, #tpu.memory_space<hbm>> -> memref<3584x128xf32, #tpu.memory_space<hbm>>
    tpu.wait_indirect_dma semaphore(%arg11 : memref<!tpu.dma_semaphore, #tpu.memory_space<semaphore_mem>>) src(%dma_wait3A_17 : memref<3584x128xf32, #tpu.memory_space<hbm>>) dst(%arg9 : memref<256x128xf32, #tpu.memory_space<vmem>>)
    %add3A_18 = arith.constant 0 : i32
    %add3A_19 = arith.addi %mul3A_2, %add3A_18 : i32
    "tpu.region"() ({
      %run_scoped3A = tpu.sem_alloc : memref<!tpu.dma_semaphore, #tpu.memory_space<semaphore_mem>>
      %dma_start3A_41 = arith.constant 0 : i32
      %dma_start3A_42 = tpu.memref_slice %arg4[%add3A_19, %dma_start3A_41] : memref<32768x128xf32, #tpu.memory_space<hbm>> -> memref<256x128xf32, #tpu.memory_space<hbm>>
      %dma_start3A_43 = arith.constant 0 : i32
      %dma_start3A_44 = tpu.memref_slice %arg4[%add3A_19, %dma_start3A_43] : memref<32768x128xf32, #tpu.memory_space<hbm>> -> memref<256x128xf32, #tpu.memory_space<hbm>>
      tpu.enqueue_dma source(%arg9 : memref<256x128xf32, #tpu.memory_space<vmem>>) target(%dma_start3A_44 : memref<256x128xf32, #tpu.memory_space<hbm>>) target_semaphore(%run_scoped3A : memref<!tpu.dma_semaphore, #tpu.memory_space<semaphore_mem>>)
      %dma_wait3A_45 = arith.constant 0 : i32
      %dma_wait3A_46 = tpu.memref_slice %arg4[%add3A_19, %dma_wait3A_45] : memref<32768x128xf32, #tpu.memory_space<hbm>> -> memref<256x128xf32, #tpu.memory_space<hbm>>
      %dma_wait3A_47 = arith.constant 0 : i32
      %dma_wait3A_48 = tpu.memref_slice %arg4[%add3A_19, %dma_wait3A_47] : memref<32768x128xf32, #tpu.memory_space<hbm>> -> memref<256x128xf32, #tpu.memory_space<hbm>>
      tpu.wait_dma2 semaphore(%run_scoped3A : memref<!tpu.dma_semaphore, #tpu.memory_space<semaphore_mem>>) src(%arg9 : memref<256x128xf32, #tpu.memory_space<vmem>>) dst(%dma_wait3A_48 : memref<256x128xf32, #tpu.memory_space<hbm>>)
      tpu.yield
    }) : () -> ()
    %dma_start3A_20 = arith.constant 0 : i32
    %dma_start3A_21 = arith.constant 0 : i32
    %dma_start3A_22 = tpu.memref_slice %arg2[%dma_start3A_20, %dma_start3A_21] : memref<3584x128xf32, #tpu.memory_space<hbm>> -> memref<3584x128xf32, #tpu.memory_space<hbm>>
    tpu.enqueue_indirect_dma source(%dma_start3A_22 : memref<3584x128xf32, #tpu.memory_space<hbm>>) target(%arg9 : memref<256x128xf32, #tpu.memory_space<vmem>>) offsets(%arg7 : memref<256xi32, #tpu.memory_space<vmem>>) semaphore(%arg11 : memref<!tpu.dma_semaphore, #tpu.memory_space<semaphore_mem>>)
    %dma_wait3A_23 = arith.constant 0 : i32
    %dma_wait3A_24 = arith.constant 0 : i32
    %dma_wait3A_25 = tpu.memref_slice %arg2[%dma_wait3A_23, %dma_wait3A_24] : memref<3584x128xf32, #tpu.memory_space<hbm>> -> memref<3584x128xf32, #tpu.memory_space<hbm>>
    tpu.wait_indirect_dma semaphore(%arg12 : memref<!tpu.dma_semaphore, #tpu.memory_space<semaphore_mem>>) src(%dma_wait3A_25 : memref<3584x128xf32, #tpu.memory_space<hbm>>) dst(%arg10 : memref<256x128xf32, #tpu.memory_space<vmem>>)
    %add3A_26 = arith.constant 256 : i32
    %add3A_27 = arith.addi %mul3A_2, %add3A_26 : i32
    "tpu.region"() ({
      %run_scoped3A = tpu.sem_alloc : memref<!tpu.dma_semaphore, #tpu.memory_space<semaphore_mem>>
      %dma_start3A_41 = arith.constant 0 : i32
      %dma_start3A_42 = tpu.memref_slice %arg4[%add3A_27, %dma_start3A_41] : memref<32768x128xf32, #tpu.memory_space<hbm>> -> memref<256x128xf32, #tpu.memory_space<hbm>>
      %dma_start3A_43 = arith.constant 0 : i32
      %dma_start3A_44 = tpu.memref_slice %arg4[%add3A_27, %dma_start3A_43] : memref<32768x128xf32, #tpu.memory_space<hbm>> -> memref<256x128xf32, #tpu.memory_space<hbm>>
      tpu.enqueue_dma source(%arg10 : memref<256x128xf32, #tpu.memory_space<vmem>>) target(%dma_start3A_44 : memref<256x128xf32, #tpu.memory_space<hbm>>) target_semaphore(%run_scoped3A : memref<!tpu.dma_semaphore, #tpu.memory_space<semaphore_mem>>)
      %dma_wait3A_45 = arith.constant 0 : i32
      %dma_wait3A_46 = tpu.memref_slice %arg4[%add3A_27, %dma_wait3A_45] : memref<32768x128xf32, #tpu.memory_space<hbm>> -> memref<256x128xf32, #tpu.memory_space<hbm>>
      %dma_wait3A_47 = arith.constant 0 : i32
      %dma_wait3A_48 = tpu.memref_slice %arg4[%add3A_27, %dma_wait3A_47] : memref<32768x128xf32, #tpu.memory_space<hbm>> -> memref<256x128xf32, #tpu.memory_space<hbm>>
      tpu.wait_dma2 semaphore(%run_scoped3A : memref<!tpu.dma_semaphore, #tpu.memory_space<semaphore_mem>>) src(%arg10 : memref<256x128xf32, #tpu.memory_space<vmem>>) dst(%dma_wait3A_48 : memref<256x128xf32, #tpu.memory_space<hbm>>)
      tpu.yield
    }) : () -> ()
    %dma_start3A_28 = arith.constant 0 : i32
    %dma_start3A_29 = arith.constant 0 : i32
    %dma_start3A_30 = tpu.memref_slice %arg2[%dma_start3A_28, %dma_start3A_29] : memref<3584x128xf32, #tpu.memory_space<hbm>> -> memref<3584x128xf32, #tpu.memory_space<hbm>>
    tpu.enqueue_indirect_dma source(%dma_start3A_30 : memref<3584x128xf32, #tpu.memory_space<hbm>>) target(%arg10 : memref<256x128xf32, #tpu.memory_space<vmem>>) offsets(%arg8 : memref<256xi32, #tpu.memory_space<vmem>>) semaphore(%arg12 : memref<!tpu.dma_semaphore, #tpu.memory_space<semaphore_mem>>)
    %dma_wait3A_31 = arith.constant 0 : i32
    %dma_wait3A_32 = arith.constant 0 : i32
    %dma_wait3A_33 = tpu.memref_slice %arg2[%dma_wait3A_31, %dma_wait3A_32] : memref<3584x128xf32, #tpu.memory_space<hbm>> -> memref<3584x128xf32, #tpu.memory_space<hbm>>
    tpu.wait_indirect_dma semaphore(%arg11 : memref<!tpu.dma_semaphore, #tpu.memory_space<semaphore_mem>>) src(%dma_wait3A_33 : memref<3584x128xf32, #tpu.memory_space<hbm>>) dst(%arg9 : memref<256x128xf32, #tpu.memory_space<vmem>>)
    %add3A_34 = arith.constant 512 : i32
    %add3A_35 = arith.addi %mul3A_2, %add3A_34 : i32
    "tpu.region"() ({
      %run_scoped3A = tpu.sem_alloc : memref<!tpu.dma_semaphore, #tpu.memory_space<semaphore_mem>>
      %dma_start3A_41 = arith.constant 0 : i32
      %dma_start3A_42 = tpu.memref_slice %arg4[%add3A_35, %dma_start3A_41] : memref<32768x128xf32, #tpu.memory_space<hbm>> -> memref<256x128xf32, #tpu.memory_space<hbm>>
      %dma_start3A_43 = arith.constant 0 : i32
      %dma_start3A_44 = tpu.memref_slice %arg4[%add3A_35, %dma_start3A_43] : memref<32768x128xf32, #tpu.memory_space<hbm>> -> memref<256x128xf32, #tpu.memory_space<hbm>>
      tpu.enqueue_dma source(%arg9 : memref<256x128xf32, #tpu.memory_space<vmem>>) target(%dma_start3A_44 : memref<256x128xf32, #tpu.memory_space<hbm>>) target_semaphore(%run_scoped3A : memref<!tpu.dma_semaphore, #tpu.memory_space<semaphore_mem>>)
      %dma_wait3A_45 = arith.constant 0 : i32
      %dma_wait3A_46 = tpu.memref_slice %arg4[%add3A_35, %dma_wait3A_45] : memref<32768x128xf32, #tpu.memory_space<hbm>> -> memref<256x128xf32, #tpu.memory_space<hbm>>
      %dma_wait3A_47 = arith.constant 0 : i32
      %dma_wait3A_48 = tpu.memref_slice %arg4[%add3A_35, %dma_wait3A_47] : memref<32768x128xf32, #tpu.memory_space<hbm>> -> memref<256x128xf32, #tpu.memory_space<hbm>>
      tpu.wait_dma2 semaphore(%run_scoped3A : memref<!tpu.dma_semaphore, #tpu.memory_space<semaphore_mem>>) src(%arg9 : memref<256x128xf32, #tpu.memory_space<vmem>>) dst(%dma_wait3A_48 : memref<256x128xf32, #tpu.memory_space<hbm>>)
      tpu.yield
    }) : () -> ()
    %dma_wait3A_36 = arith.constant 0 : i32
    %dma_wait3A_37 = arith.constant 0 : i32
    %dma_wait3A_38 = tpu.memref_slice %arg2[%dma_wait3A_36, %dma_wait3A_37] : memref<3584x128xf32, #tpu.memory_space<hbm>> -> memref<3584x128xf32, #tpu.memory_space<hbm>>
    tpu.wait_indirect_dma semaphore(%arg12 : memref<!tpu.dma_semaphore, #tpu.memory_space<semaphore_mem>>) src(%dma_wait3A_38 : memref<3584x128xf32, #tpu.memory_space<hbm>>) dst(%arg10 : memref<256x128xf32, #tpu.memory_space<vmem>>)
    %add3A_39 = arith.constant 768 : i32
    %add3A_40 = arith.addi %mul3A_2, %add3A_39 : i32
    "tpu.region"() ({
      %run_scoped3A = tpu.sem_alloc : memref<!tpu.dma_semaphore, #tpu.memory_space<semaphore_mem>>
      %dma_start3A_41 = arith.constant 0 : i32
      %dma_start3A_42 = tpu.memref_slice %arg4[%add3A_40, %dma_start3A_41] : memref<32768x128xf32, #tpu.memory_space<hbm>> -> memref<256x128xf32, #tpu.memory_space<hbm>>
      %dma_start3A_43 = arith.constant 0 : i32
      %dma_start3A_44 = tpu.memref_slice %arg4[%add3A_40, %dma_start3A_43] : memref<32768x128xf32, #tpu.memory_space<hbm>> -> memref<256x128xf32, #tpu.memory_space<hbm>>
      tpu.enqueue_dma source(%arg10 : memref<256x128xf32, #tpu.memory_space<vmem>>) target(%dma_start3A_44 : memref<256x128xf32, #tpu.memory_space<hbm>>) target_semaphore(%run_scoped3A : memref<!tpu.dma_semaphore, #tpu.memory_space<semaphore_mem>>)
      %dma_wait3A_45 = arith.constant 0 : i32
      %dma_wait3A_46 = tpu.memref_slice %arg4[%add3A_40, %dma_wait3A_45] : memref<32768x128xf32, #tpu.memory_space<hbm>> -> memref<256x128xf32, #tpu.memory_space<hbm>>
      %dma_wait3A_47 = arith.constant 0 : i32
      %dma_wait3A_48 = tpu.memref_slice %arg4[%add3A_40, %dma_wait3A_47] : memref<32768x128xf32, #tpu.memory_space<hbm>> -> memref<256x128xf32, #tpu.memory_space<hbm>>
      tpu.wait_dma2 semaphore(%run_scoped3A : memref<!tpu.dma_semaphore, #tpu.memory_space<semaphore_mem>>) src(%arg10 : memref<256x128xf32, #tpu.memory_space<vmem>>) dst(%dma_wait3A_48 : memref<256x128xf32, #tpu.memory_space<hbm>>)
      tpu.yield
    }) : () -> ()
    return
  }
}

module attributes {stable_mosaic.version = 14 : i64} {
  func.func @_tc_body(%arg0: i32, %arg1: memref<1x1024x128xf32, #tpu.memory_space<vmem>>, %arg2: memref<1x1024x2xf32, #tpu.memory_space<vmem>>, %arg3: memref<2x128xf32, #tpu.memory_space<vmem>>, %arg4: memref<1x128xf32, #tpu.memory_space<vmem>>, %arg5: memref<128x128xf32, #tpu.memory_space<vmem>>, %arg6: memref<128x128xf32, #tpu.memory_space<vmem>>, %arg7: memref<1x128xf32, #tpu.memory_space<vmem>>, %arg8: memref<6x128x128xf32, #tpu.memory_space<vmem>>, %arg9: memref<6x128x128xf32, #tpu.memory_space<vmem>>, %arg10: memref<6x128xf32, #tpu.memory_space<vmem>>, %arg11: memref<128x3584xbf16, #tpu.memory_space<vmem>>, %arg12: memref<1x3584xf32, #tpu.memory_space<vmem>>, %arg13: memref<128x2xf32, #tpu.memory_space<vmem>>, %arg14: memref<1x2xf32, #tpu.memory_space<vmem>>, %arg15: memref<1x1024x3586xf32, #tpu.memory_space<vmem>>) attributes {dimension_semantics = [#tpu.dimension_semantics<parallel>], iteration_bounds = array<i64: 32>, scalar_prefetch = 0 : i64, scratch_operands = 0 : i64, tpu.core_type = #tpu.core_type<tc>, window_params = [{transform_indices = @transform_0, window_bounds = array<i64: 1, 1024, 128>}, {transform_indices = @transform_1, window_bounds = array<i64: 1, 1024, 2>}, {pipeline_mode = #tpu.pipeline_mode<synchronous>, transform_indices = @transform_2, window_bounds = array<i64: 2, 128>}, {pipeline_mode = #tpu.pipeline_mode<synchronous>, transform_indices = @transform_3, window_bounds = array<i64: 1, 128>}, {pipeline_mode = #tpu.pipeline_mode<synchronous>, transform_indices = @transform_4, window_bounds = array<i64: 128, 128>}, {pipeline_mode = #tpu.pipeline_mode<synchronous>, transform_indices = @transform_5, window_bounds = array<i64: 128, 128>}, {pipeline_mode = #tpu.pipeline_mode<synchronous>, transform_indices = @transform_6, window_bounds = array<i64: 1, 128>}, {pipeline_mode = #tpu.pipeline_mode<synchronous>, transform_indices = @transform_7, window_bounds = array<i64: 6, 128, 128>}, {pipeline_mode = #tpu.pipeline_mode<synchronous>, transform_indices = @transform_8, window_bounds = array<i64: 6, 128, 128>}, {pipeline_mode = #tpu.pipeline_mode<synchronous>, transform_indices = @transform_9, window_bounds = array<i64: 6, 128>}, {pipeline_mode = #tpu.pipeline_mode<synchronous>, transform_indices = @transform_10, window_bounds = array<i64: 128, 3584>}, {pipeline_mode = #tpu.pipeline_mode<synchronous>, transform_indices = @transform_11, window_bounds = array<i64: 1, 3584>}, {pipeline_mode = #tpu.pipeline_mode<synchronous>, transform_indices = @transform_12, window_bounds = array<i64: 128, 2>}, {pipeline_mode = #tpu.pipeline_mode<synchronous>, transform_indices = @transform_13, window_bounds = array<i64: 1, 2>}, {transform_indices = @transform_14, window_bounds = array<i64: 1, 1024, 3586>}]} {
    %get3A = arith.constant 0 : index
    %get3A_0 = arith.constant 0 : index
    %get3A_1 = arith.constant 0 : index
    %get3A_2 = vector.load %arg1[%get3A, %get3A_0, %get3A_1] : memref<1x1024x128xf32, #tpu.memory_space<vmem>>, vector<1x1024x128xf32>
    %get3A_3 = vector.shape_cast %get3A_2 : vector<1x1024x128xf32> to vector<1024x128xf32>
    %get3A_4 = arith.constant 0 : index
    %get3A_5 = arith.constant 0 : index
    %get3A_6 = arith.constant 0 : index
    %get3A_7 = vector.load %arg2[%get3A_4, %get3A_5, %get3A_6] : memref<1x1024x2xf32, #tpu.memory_space<vmem>>, vector<1x1024x2xf32>
    %get3A_8 = vector.shape_cast %get3A_7 : vector<1x1024x2xf32> to vector<1024x2xf32>
    %get3A_9 = arith.constant 0 : index
    %get3A_10 = arith.constant 0 : index
    %get3A_11 = vector.load %arg3[%get3A_9, %get3A_10] : memref<2x128xf32, #tpu.memory_space<vmem>>, vector<2x128xf32>
    %dot_general3A = arith.constant dense<0.000000e+00> : vector<1024x128xf32>
    %dot_general3A_12 = tpu.matmul %get3A_8, %get3A_11, %dot_general3A {dimension_numbers = #tpu.dot_dimension_numbers<[1], [0], [0], [1], [0, 0, 1, 1], [], []>, transpose_lhs_hint = false} : vector<1024x2xf32>, vector<2x128xf32>, vector<1024x128xf32> -> vector<1024x128xf32>
    %get3A_13 = arith.constant 0 : index
    %get3A_14 = arith.constant 0 : index
    %get3A_15 = vector.load %arg4[%get3A_13, %get3A_14] : memref<1x128xf32, #tpu.memory_space<vmem>>, vector<1x128xf32>
    %add3A = vector.broadcast %get3A_15 : vector<1x128xf32> to vector<1024x128xf32>
    %add3A_16 = arith.addf %dot_general3A_12, %add3A : vector<1024x128xf32>
    %get3A_17 = arith.constant 0 : index
    %get3A_18 = arith.constant 0 : index
    %get3A_19 = vector.load %arg5[%get3A_17, %get3A_18] : memref<128x128xf32, #tpu.memory_space<vmem>>, vector<128x128xf32>
    %dot_general3A_20 = arith.constant dense<0.000000e+00> : vector<1024x128xf32>
    %dot_general3A_21 = tpu.matmul %get3A_3, %get3A_19, %dot_general3A_20 {dimension_numbers = #tpu.dot_dimension_numbers<[1], [0], [0], [1], [0, 0, 1, 1], [], []>, transpose_lhs_hint = false} : vector<1024x128xf32>, vector<128x128xf32>, vector<1024x128xf32> -> vector<1024x128xf32>
    %get3A_22 = arith.constant 0 : index
    %get3A_23 = arith.constant 0 : index
    %get3A_24 = vector.load %arg6[%get3A_22, %get3A_23] : memref<128x128xf32, #tpu.memory_space<vmem>>, vector<128x128xf32>
    %dot_general3A_25 = arith.constant dense<0.000000e+00> : vector<1024x128xf32>
    %dot_general3A_26 = tpu.matmul %add3A_16, %get3A_24, %dot_general3A_25 {dimension_numbers = #tpu.dot_dimension_numbers<[1], [0], [0], [1], [0, 0, 1, 1], [], []>, transpose_lhs_hint = false} : vector<1024x128xf32>, vector<128x128xf32>, vector<1024x128xf32> -> vector<1024x128xf32>
    %add3A_27 = arith.addf %dot_general3A_21, %dot_general3A_26 : vector<1024x128xf32>
    %get3A_28 = arith.constant 0 : index
    %get3A_29 = arith.constant 0 : index
    %get3A_30 = vector.load %arg7[%get3A_28, %get3A_29] : memref<1x128xf32, #tpu.memory_space<vmem>>, vector<1x128xf32>
    %add3A_31 = vector.broadcast %get3A_30 : vector<1x128xf32> to vector<1024x128xf32>
    %add3A_32 = arith.addf %add3A_27, %add3A_31 : vector<1024x128xf32>
    %broadcast_in_dim3A = arith.constant 0.000000e+00 : f32
    %broadcast_in_dim3A_33 = vector.broadcast %broadcast_in_dim3A : f32 to vector<1x128xf32>
    %slice3A = vector.extract_strided_slice %add3A_32 {offsets = [0, 0], sizes = [1023, 128], strides = [1, 1]} : vector<1024x128xf32> to vector<1023x128xf32>
    %concatenate3A = tpu.concatenate %broadcast_in_dim3A_33, %slice3A in 0 : vector<1x128xf32>, vector<1023x128xf32> -> vector<1024x128xf32>
    %get3A_34 = arith.constant 0 : index
    %get3A_35 = arith.constant 0 : index
    %get3A_36 = arith.constant 0 : index
    %get3A_37 = vector.load %arg8[%get3A_34, %get3A_35, %get3A_36] : memref<6x128x128xf32, #tpu.memory_space<vmem>>, vector<1x128x128xf32>
    %get3A_38 = vector.shape_cast %get3A_37 : vector<1x128x128xf32> to vector<128x128xf32>
    %dot_general3A_39 = arith.constant dense<0.000000e+00> : vector<1024x128xf32>
    %dot_general3A_40 = tpu.matmul %concatenate3A, %get3A_38, %dot_general3A_39 {dimension_numbers = #tpu.dot_dimension_numbers<[1], [0], [0], [1], [0, 0, 1, 1], [], []>, transpose_lhs_hint = false} : vector<1024x128xf32>, vector<128x128xf32>, vector<1024x128xf32> -> vector<1024x128xf32>
    %get3A_41 = arith.constant 0 : index
    %get3A_42 = arith.constant 0 : index
    %get3A_43 = arith.constant 0 : index
    %get3A_44 = vector.load %arg9[%get3A_41, %get3A_42, %get3A_43] : memref<6x128x128xf32, #tpu.memory_space<vmem>>, vector<1x128x128xf32>
    %get3A_45 = vector.shape_cast %get3A_44 : vector<1x128x128xf32> to vector<128x128xf32>
    %dot_general3A_46 = arith.constant dense<0.000000e+00> : vector<1024x128xf32>
    %dot_general3A_47 = tpu.matmul %add3A_32, %get3A_45, %dot_general3A_46 {dimension_numbers = #tpu.dot_dimension_numbers<[1], [0], [0], [1], [0, 0, 1, 1], [], []>, transpose_lhs_hint = false} : vector<1024x128xf32>, vector<128x128xf32>, vector<1024x128xf32> -> vector<1024x128xf32>
    %add3A_48 = arith.addf %dot_general3A_40, %dot_general3A_47 : vector<1024x128xf32>
    %get3A_49 = arith.constant 0 : index
    %get3A_50 = arith.constant 0 : index
    %get3A_51 = vector.load %arg10[%get3A_49, %get3A_50] : memref<6x128xf32, #tpu.memory_space<vmem>>, vector<1x128xf32>
    %add3A_52 = vector.broadcast %get3A_51 : vector<1x128xf32> to vector<1024x128xf32>
    %add3A_53 = arith.addf %add3A_48, %add3A_52 : vector<1024x128xf32>
    %ge3A = arith.constant 0.000000e+00 : f32
    %ge3A_54 = vector.broadcast %ge3A : f32 to vector<1024x128xf32>
    %ge3A_55 = arith.cmpf oge, %add3A_53, %ge3A_54 : vector<1024x128xf32>
    %mul3A = arith.constant 2.000000e-01 : f32
    %mul3A_56 = vector.broadcast %mul3A : f32 to vector<1024x128xf32>
    %mul3A_57 = arith.mulf %mul3A_56, %add3A_53 : vector<1024x128xf32>
    %select_n3A = arith.select %ge3A_55, %add3A_53, %mul3A_57 : vector<1024x128xi1>, vector<1024x128xf32>
    %add3A_58 = arith.addf %add3A_32, %select_n3A : vector<1024x128xf32>
    %broadcast_in_dim3A_59 = arith.constant 0.000000e+00 : f32
    %broadcast_in_dim3A_60 = vector.broadcast %broadcast_in_dim3A_59 : f32 to vector<3x128xf32>
    %slice3A_61 = vector.extract_strided_slice %add3A_58 {offsets = [0, 0], sizes = [1021, 128], strides = [1, 1]} : vector<1024x128xf32> to vector<1021x128xf32>
    %concatenate3A_62 = tpu.concatenate %broadcast_in_dim3A_60, %slice3A_61 in 0 : vector<3x128xf32>, vector<1021x128xf32> -> vector<1024x128xf32>
    %get3A_63 = arith.constant 1 : index
    %get3A_64 = arith.constant 0 : index
    %get3A_65 = arith.constant 0 : index
    %get3A_66 = vector.load %arg8[%get3A_63, %get3A_64, %get3A_65] : memref<6x128x128xf32, #tpu.memory_space<vmem>>, vector<1x128x128xf32>
    %get3A_67 = vector.shape_cast %get3A_66 : vector<1x128x128xf32> to vector<128x128xf32>
    %dot_general3A_68 = arith.constant dense<0.000000e+00> : vector<1024x128xf32>
    %dot_general3A_69 = tpu.matmul %concatenate3A_62, %get3A_67, %dot_general3A_68 {dimension_numbers = #tpu.dot_dimension_numbers<[1], [0], [0], [1], [0, 0, 1, 1], [], []>, transpose_lhs_hint = false} : vector<1024x128xf32>, vector<128x128xf32>, vector<1024x128xf32> -> vector<1024x128xf32>
    %get3A_70 = arith.constant 1 : index
    %get3A_71 = arith.constant 0 : index
    %get3A_72 = arith.constant 0 : index
    %get3A_73 = vector.load %arg9[%get3A_70, %get3A_71, %get3A_72] : memref<6x128x128xf32, #tpu.memory_space<vmem>>, vector<1x128x128xf32>
    %get3A_74 = vector.shape_cast %get3A_73 : vector<1x128x128xf32> to vector<128x128xf32>
    %dot_general3A_75 = arith.constant dense<0.000000e+00> : vector<1024x128xf32>
    %dot_general3A_76 = tpu.matmul %add3A_58, %get3A_74, %dot_general3A_75 {dimension_numbers = #tpu.dot_dimension_numbers<[1], [0], [0], [1], [0, 0, 1, 1], [], []>, transpose_lhs_hint = false} : vector<1024x128xf32>, vector<128x128xf32>, vector<1024x128xf32> -> vector<1024x128xf32>
    %add3A_77 = arith.addf %dot_general3A_69, %dot_general3A_76 : vector<1024x128xf32>
    %get3A_78 = arith.constant 1 : index
    %get3A_79 = arith.constant 0 : index
    %get3A_80 = vector.load %arg10[%get3A_78, %get3A_79] : memref<6x128xf32, #tpu.memory_space<vmem>>, vector<1x128xf32>
    %add3A_81 = vector.broadcast %get3A_80 : vector<1x128xf32> to vector<1024x128xf32>
    %add3A_82 = arith.addf %add3A_77, %add3A_81 : vector<1024x128xf32>
    %ge3A_83 = arith.constant 0.000000e+00 : f32
    %ge3A_84 = vector.broadcast %ge3A_83 : f32 to vector<1024x128xf32>
    %ge3A_85 = arith.cmpf oge, %add3A_82, %ge3A_84 : vector<1024x128xf32>
    %mul3A_86 = arith.constant 2.000000e-01 : f32
    %mul3A_87 = vector.broadcast %mul3A_86 : f32 to vector<1024x128xf32>
    %mul3A_88 = arith.mulf %mul3A_87, %add3A_82 : vector<1024x128xf32>
    %select_n3A_89 = arith.select %ge3A_85, %add3A_82, %mul3A_88 : vector<1024x128xi1>, vector<1024x128xf32>
    %add3A_90 = arith.addf %add3A_58, %select_n3A_89 : vector<1024x128xf32>
    %broadcast_in_dim3A_91 = arith.constant 0.000000e+00 : f32
    %broadcast_in_dim3A_92 = vector.broadcast %broadcast_in_dim3A_91 : f32 to vector<9x128xf32>
    %slice3A_93 = vector.extract_strided_slice %add3A_90 {offsets = [0, 0], sizes = [1015, 128], strides = [1, 1]} : vector<1024x128xf32> to vector<1015x128xf32>
    %concatenate3A_94 = tpu.concatenate %broadcast_in_dim3A_92, %slice3A_93 in 0 : vector<9x128xf32>, vector<1015x128xf32> -> vector<1024x128xf32>
    %get3A_95 = arith.constant 2 : index
    %get3A_96 = arith.constant 0 : index
    %get3A_97 = arith.constant 0 : index
    %get3A_98 = vector.load %arg8[%get3A_95, %get3A_96, %get3A_97] : memref<6x128x128xf32, #tpu.memory_space<vmem>>, vector<1x128x128xf32>
    %get3A_99 = vector.shape_cast %get3A_98 : vector<1x128x128xf32> to vector<128x128xf32>
    %dot_general3A_100 = arith.constant dense<0.000000e+00> : vector<1024x128xf32>
    %dot_general3A_101 = tpu.matmul %concatenate3A_94, %get3A_99, %dot_general3A_100 {dimension_numbers = #tpu.dot_dimension_numbers<[1], [0], [0], [1], [0, 0, 1, 1], [], []>, transpose_lhs_hint = false} : vector<1024x128xf32>, vector<128x128xf32>, vector<1024x128xf32> -> vector<1024x128xf32>
    %get3A_102 = arith.constant 2 : index
    %get3A_103 = arith.constant 0 : index
    %get3A_104 = arith.constant 0 : index
    %get3A_105 = vector.load %arg9[%get3A_102, %get3A_103, %get3A_104] : memref<6x128x128xf32, #tpu.memory_space<vmem>>, vector<1x128x128xf32>
    %get3A_106 = vector.shape_cast %get3A_105 : vector<1x128x128xf32> to vector<128x128xf32>
    %dot_general3A_107 = arith.constant dense<0.000000e+00> : vector<1024x128xf32>
    %dot_general3A_108 = tpu.matmul %add3A_90, %get3A_106, %dot_general3A_107 {dimension_numbers = #tpu.dot_dimension_numbers<[1], [0], [0], [1], [0, 0, 1, 1], [], []>, transpose_lhs_hint = false} : vector<1024x128xf32>, vector<128x128xf32>, vector<1024x128xf32> -> vector<1024x128xf32>
    %add3A_109 = arith.addf %dot_general3A_101, %dot_general3A_108 : vector<1024x128xf32>
    %get3A_110 = arith.constant 2 : index
    %get3A_111 = arith.constant 0 : index
    %get3A_112 = vector.load %arg10[%get3A_110, %get3A_111] : memref<6x128xf32, #tpu.memory_space<vmem>>, vector<1x128xf32>
    %add3A_113 = vector.broadcast %get3A_112 : vector<1x128xf32> to vector<1024x128xf32>
    %add3A_114 = arith.addf %add3A_109, %add3A_113 : vector<1024x128xf32>
    %ge3A_115 = arith.constant 0.000000e+00 : f32
    %ge3A_116 = vector.broadcast %ge3A_115 : f32 to vector<1024x128xf32>
    %ge3A_117 = arith.cmpf oge, %add3A_114, %ge3A_116 : vector<1024x128xf32>
    %mul3A_118 = arith.constant 2.000000e-01 : f32
    %mul3A_119 = vector.broadcast %mul3A_118 : f32 to vector<1024x128xf32>
    %mul3A_120 = arith.mulf %mul3A_119, %add3A_114 : vector<1024x128xf32>
    %select_n3A_121 = arith.select %ge3A_117, %add3A_114, %mul3A_120 : vector<1024x128xi1>, vector<1024x128xf32>
    %add3A_122 = arith.addf %add3A_90, %select_n3A_121 : vector<1024x128xf32>
    %broadcast_in_dim3A_123 = arith.constant 0.000000e+00 : f32
    %broadcast_in_dim3A_124 = vector.broadcast %broadcast_in_dim3A_123 : f32 to vector<27x128xf32>
    %slice3A_125 = vector.extract_strided_slice %add3A_122 {offsets = [0, 0], sizes = [997, 128], strides = [1, 1]} : vector<1024x128xf32> to vector<997x128xf32>
    %concatenate3A_126 = tpu.concatenate %broadcast_in_dim3A_124, %slice3A_125 in 0 : vector<27x128xf32>, vector<997x128xf32> -> vector<1024x128xf32>
    %get3A_127 = arith.constant 3 : index
    %get3A_128 = arith.constant 0 : index
    %get3A_129 = arith.constant 0 : index
    %get3A_130 = vector.load %arg8[%get3A_127, %get3A_128, %get3A_129] : memref<6x128x128xf32, #tpu.memory_space<vmem>>, vector<1x128x128xf32>
    %get3A_131 = vector.shape_cast %get3A_130 : vector<1x128x128xf32> to vector<128x128xf32>
    %dot_general3A_132 = arith.constant dense<0.000000e+00> : vector<1024x128xf32>
    %dot_general3A_133 = tpu.matmul %concatenate3A_126, %get3A_131, %dot_general3A_132 {dimension_numbers = #tpu.dot_dimension_numbers<[1], [0], [0], [1], [0, 0, 1, 1], [], []>, transpose_lhs_hint = false} : vector<1024x128xf32>, vector<128x128xf32>, vector<1024x128xf32> -> vector<1024x128xf32>
    %get3A_134 = arith.constant 3 : index
    %get3A_135 = arith.constant 0 : index
    %get3A_136 = arith.constant 0 : index
    %get3A_137 = vector.load %arg9[%get3A_134, %get3A_135, %get3A_136] : memref<6x128x128xf32, #tpu.memory_space<vmem>>, vector<1x128x128xf32>
    %get3A_138 = vector.shape_cast %get3A_137 : vector<1x128x128xf32> to vector<128x128xf32>
    %dot_general3A_139 = arith.constant dense<0.000000e+00> : vector<1024x128xf32>
    %dot_general3A_140 = tpu.matmul %add3A_122, %get3A_138, %dot_general3A_139 {dimension_numbers = #tpu.dot_dimension_numbers<[1], [0], [0], [1], [0, 0, 1, 1], [], []>, transpose_lhs_hint = false} : vector<1024x128xf32>, vector<128x128xf32>, vector<1024x128xf32> -> vector<1024x128xf32>
    %add3A_141 = arith.addf %dot_general3A_133, %dot_general3A_140 : vector<1024x128xf32>
    %get3A_142 = arith.constant 3 : index
    %get3A_143 = arith.constant 0 : index
    %get3A_144 = vector.load %arg10[%get3A_142, %get3A_143] : memref<6x128xf32, #tpu.memory_space<vmem>>, vector<1x128xf32>
    %add3A_145 = vector.broadcast %get3A_144 : vector<1x128xf32> to vector<1024x128xf32>
    %add3A_146 = arith.addf %add3A_141, %add3A_145 : vector<1024x128xf32>
    %ge3A_147 = arith.constant 0.000000e+00 : f32
    %ge3A_148 = vector.broadcast %ge3A_147 : f32 to vector<1024x128xf32>
    %ge3A_149 = arith.cmpf oge, %add3A_146, %ge3A_148 : vector<1024x128xf32>
    %mul3A_150 = arith.constant 2.000000e-01 : f32
    %mul3A_151 = vector.broadcast %mul3A_150 : f32 to vector<1024x128xf32>
    %mul3A_152 = arith.mulf %mul3A_151, %add3A_146 : vector<1024x128xf32>
    %select_n3A_153 = arith.select %ge3A_149, %add3A_146, %mul3A_152 : vector<1024x128xi1>, vector<1024x128xf32>
    %add3A_154 = arith.addf %add3A_122, %select_n3A_153 : vector<1024x128xf32>
    %broadcast_in_dim3A_155 = arith.constant 0.000000e+00 : f32
    %broadcast_in_dim3A_156 = vector.broadcast %broadcast_in_dim3A_155 : f32 to vector<81x128xf32>
    %slice3A_157 = vector.extract_strided_slice %add3A_154 {offsets = [0, 0], sizes = [943, 128], strides = [1, 1]} : vector<1024x128xf32> to vector<943x128xf32>
    %concatenate3A_158 = tpu.concatenate %broadcast_in_dim3A_156, %slice3A_157 in 0 : vector<81x128xf32>, vector<943x128xf32> -> vector<1024x128xf32>
    %get3A_159 = arith.constant 4 : index
    %get3A_160 = arith.constant 0 : index
    %get3A_161 = arith.constant 0 : index
    %get3A_162 = vector.load %arg8[%get3A_159, %get3A_160, %get3A_161] : memref<6x128x128xf32, #tpu.memory_space<vmem>>, vector<1x128x128xf32>
    %get3A_163 = vector.shape_cast %get3A_162 : vector<1x128x128xf32> to vector<128x128xf32>
    %dot_general3A_164 = arith.constant dense<0.000000e+00> : vector<1024x128xf32>
    %dot_general3A_165 = tpu.matmul %concatenate3A_158, %get3A_163, %dot_general3A_164 {dimension_numbers = #tpu.dot_dimension_numbers<[1], [0], [0], [1], [0, 0, 1, 1], [], []>, transpose_lhs_hint = false} : vector<1024x128xf32>, vector<128x128xf32>, vector<1024x128xf32> -> vector<1024x128xf32>
    %get3A_166 = arith.constant 4 : index
    %get3A_167 = arith.constant 0 : index
    %get3A_168 = arith.constant 0 : index
    %get3A_169 = vector.load %arg9[%get3A_166, %get3A_167, %get3A_168] : memref<6x128x128xf32, #tpu.memory_space<vmem>>, vector<1x128x128xf32>
    %get3A_170 = vector.shape_cast %get3A_169 : vector<1x128x128xf32> to vector<128x128xf32>
    %dot_general3A_171 = arith.constant dense<0.000000e+00> : vector<1024x128xf32>
    %dot_general3A_172 = tpu.matmul %add3A_154, %get3A_170, %dot_general3A_171 {dimension_numbers = #tpu.dot_dimension_numbers<[1], [0], [0], [1], [0, 0, 1, 1], [], []>, transpose_lhs_hint = false} : vector<1024x128xf32>, vector<128x128xf32>, vector<1024x128xf32> -> vector<1024x128xf32>
    %add3A_173 = arith.addf %dot_general3A_165, %dot_general3A_172 : vector<1024x128xf32>
    %get3A_174 = arith.constant 4 : index
    %get3A_175 = arith.constant 0 : index
    %get3A_176 = vector.load %arg10[%get3A_174, %get3A_175] : memref<6x128xf32, #tpu.memory_space<vmem>>, vector<1x128xf32>
    %add3A_177 = vector.broadcast %get3A_176 : vector<1x128xf32> to vector<1024x128xf32>
    %add3A_178 = arith.addf %add3A_173, %add3A_177 : vector<1024x128xf32>
    %ge3A_179 = arith.constant 0.000000e+00 : f32
    %ge3A_180 = vector.broadcast %ge3A_179 : f32 to vector<1024x128xf32>
    %ge3A_181 = arith.cmpf oge, %add3A_178, %ge3A_180 : vector<1024x128xf32>
    %mul3A_182 = arith.constant 2.000000e-01 : f32
    %mul3A_183 = vector.broadcast %mul3A_182 : f32 to vector<1024x128xf32>
    %mul3A_184 = arith.mulf %mul3A_183, %add3A_178 : vector<1024x128xf32>
    %select_n3A_185 = arith.select %ge3A_181, %add3A_178, %mul3A_184 : vector<1024x128xi1>, vector<1024x128xf32>
    %add3A_186 = arith.addf %add3A_154, %select_n3A_185 : vector<1024x128xf32>
    %broadcast_in_dim3A_187 = arith.constant 0.000000e+00 : f32
    %broadcast_in_dim3A_188 = vector.broadcast %broadcast_in_dim3A_187 : f32 to vector<1x128xf32>
    %slice3A_189 = vector.extract_strided_slice %add3A_186 {offsets = [0, 0], sizes = [1023, 128], strides = [1, 1]} : vector<1024x128xf32> to vector<1023x128xf32>
    %concatenate3A_190 = tpu.concatenate %broadcast_in_dim3A_188, %slice3A_189 in 0 : vector<1x128xf32>, vector<1023x128xf32> -> vector<1024x128xf32>
    %get3A_191 = arith.constant 5 : index
    %get3A_192 = arith.constant 0 : index
    %get3A_193 = arith.constant 0 : index
    %get3A_194 = vector.load %arg8[%get3A_191, %get3A_192, %get3A_193] : memref<6x128x128xf32, #tpu.memory_space<vmem>>, vector<1x128x128xf32>
    %get3A_195 = vector.shape_cast %get3A_194 : vector<1x128x128xf32> to vector<128x128xf32>
    %dot_general3A_196 = arith.constant dense<0.000000e+00> : vector<1024x128xf32>
    %dot_general3A_197 = tpu.matmul %concatenate3A_190, %get3A_195, %dot_general3A_196 {dimension_numbers = #tpu.dot_dimension_numbers<[1], [0], [0], [1], [0, 0, 1, 1], [], []>, transpose_lhs_hint = false} : vector<1024x128xf32>, vector<128x128xf32>, vector<1024x128xf32> -> vector<1024x128xf32>
    %get3A_198 = arith.constant 5 : index
    %get3A_199 = arith.constant 0 : index
    %get3A_200 = arith.constant 0 : index
    %get3A_201 = vector.load %arg9[%get3A_198, %get3A_199, %get3A_200] : memref<6x128x128xf32, #tpu.memory_space<vmem>>, vector<1x128x128xf32>
    %get3A_202 = vector.shape_cast %get3A_201 : vector<1x128x128xf32> to vector<128x128xf32>
    %dot_general3A_203 = arith.constant dense<0.000000e+00> : vector<1024x128xf32>
    %dot_general3A_204 = tpu.matmul %add3A_186, %get3A_202, %dot_general3A_203 {dimension_numbers = #tpu.dot_dimension_numbers<[1], [0], [0], [1], [0, 0, 1, 1], [], []>, transpose_lhs_hint = false} : vector<1024x128xf32>, vector<128x128xf32>, vector<1024x128xf32> -> vector<1024x128xf32>
    %add3A_205 = arith.addf %dot_general3A_197, %dot_general3A_204 : vector<1024x128xf32>
    %get3A_206 = arith.constant 5 : index
    %get3A_207 = arith.constant 0 : index
    %get3A_208 = vector.load %arg10[%get3A_206, %get3A_207] : memref<6x128xf32, #tpu.memory_space<vmem>>, vector<1x128xf32>
    %add3A_209 = vector.broadcast %get3A_208 : vector<1x128xf32> to vector<1024x128xf32>
    %add3A_210 = arith.addf %add3A_205, %add3A_209 : vector<1024x128xf32>
    %ge3A_211 = arith.constant 0.000000e+00 : f32
    %ge3A_212 = vector.broadcast %ge3A_211 : f32 to vector<1024x128xf32>
    %ge3A_213 = arith.cmpf oge, %add3A_210, %ge3A_212 : vector<1024x128xf32>
    %mul3A_214 = arith.constant 2.000000e-01 : f32
    %mul3A_215 = vector.broadcast %mul3A_214 : f32 to vector<1024x128xf32>
    %mul3A_216 = arith.mulf %mul3A_215, %add3A_210 : vector<1024x128xf32>
    %select_n3A_217 = arith.select %ge3A_213, %add3A_210, %mul3A_216 : vector<1024x128xi1>, vector<1024x128xf32>
    %add3A_218 = arith.addf %add3A_186, %select_n3A_217 : vector<1024x128xf32>
    %convert_element_type3A = arith.truncf %add3A_218 : vector<1024x128xf32> to vector<1024x128xbf16>
    %get3A_219 = arith.constant 0 : index
    %get3A_220 = arith.constant 0 : index
    %get3A_221 = vector.load %arg11[%get3A_219, %get3A_220] : memref<128x3584xbf16, #tpu.memory_space<vmem>>, vector<128x3584xbf16>
    %dot_general3A_222 = arith.constant dense<0.000000e+00> : vector<1024x3584xf32>
    %dot_general3A_223 = tpu.matmul %convert_element_type3A, %get3A_221, %dot_general3A_222 {dimension_numbers = #tpu.dot_dimension_numbers<[1], [0], [0], [1], [0, 0, 1, 1], [], []>, transpose_lhs_hint = false} : vector<1024x128xbf16>, vector<128x3584xbf16>, vector<1024x3584xf32> -> vector<1024x3584xf32>
    %get3A_224 = arith.constant 0 : index
    %get3A_225 = arith.constant 0 : index
    %get3A_226 = vector.load %arg12[%get3A_224, %get3A_225] : memref<1x3584xf32, #tpu.memory_space<vmem>>, vector<1x3584xf32>
    %add3A_227 = vector.broadcast %get3A_226 : vector<1x3584xf32> to vector<1024x3584xf32>
    %add3A_228 = arith.addf %dot_general3A_223, %add3A_227 : vector<1024x3584xf32>
    %get3A_229 = arith.constant 0 : index
    %get3A_230 = arith.constant 0 : index
    %get3A_231 = vector.load %arg13[%get3A_229, %get3A_230] : memref<128x2xf32, #tpu.memory_space<vmem>>, vector<128x2xf32>
    %dot_general3A_232 = arith.constant dense<0.000000e+00> : vector<1024x2xf32>
    %dot_general3A_233 = tpu.matmul %add3A_218, %get3A_231, %dot_general3A_232 {dimension_numbers = #tpu.dot_dimension_numbers<[1], [0], [0], [1], [0, 0, 1, 1], [], []>, transpose_lhs_hint = false} : vector<1024x128xf32>, vector<128x2xf32>, vector<1024x2xf32> -> vector<1024x2xf32>
    %get3A_234 = arith.constant 0 : index
    %get3A_235 = arith.constant 0 : index
    %get3A_236 = vector.load %arg14[%get3A_234, %get3A_235] : memref<1x2xf32, #tpu.memory_space<vmem>>, vector<1x2xf32>
    %add3A_237 = vector.broadcast %get3A_236 : vector<1x2xf32> to vector<1024x2xf32>
    %add3A_238 = arith.addf %dot_general3A_233, %add3A_237 : vector<1024x2xf32>
    %swap3A = arith.constant 0 : index
    %swap3A_239 = arith.constant 0 : index
    %swap3A_240 = arith.constant 0 : index
    %swap3A_241 = vector.load %arg15[%swap3A, %swap3A_239, %swap3A_240] : memref<1x1024x3586xf32, #tpu.memory_space<vmem>>, vector<1x1024x3584xf32>
    %swap3A_242 = vector.shape_cast %swap3A_241 : vector<1x1024x3584xf32> to vector<1024x3584xf32>
    %swap3A_243 = vector.shape_cast %add3A_228 : vector<1024x3584xf32> to vector<1x1024x3584xf32>
    tpu.vector_store %arg15[%swap3A, %swap3A_239, %swap3A_240], %swap3A_243 {strides = array<i32>} : memref<1x1024x3586xf32, #tpu.memory_space<vmem>>, vector<1x1024x3584xf32>,
    %swap3A_244 = arith.constant 0 : index
    %swap3A_245 = arith.constant 0 : index
    %swap3A_246 = arith.constant 3584 : index
    %swap3A_247 = vector.load %arg15[%swap3A_244, %swap3A_245, %swap3A_246] : memref<1x1024x3586xf32, #tpu.memory_space<vmem>>, vector<1x1024x2xf32>
    %swap3A_248 = vector.shape_cast %swap3A_247 : vector<1x1024x2xf32> to vector<1024x2xf32>
    %swap3A_249 = vector.shape_cast %add3A_238 : vector<1024x2xf32> to vector<1x1024x2xf32>
    tpu.vector_store %arg15[%swap3A_244, %swap3A_245, %swap3A_246], %swap3A_249 {strides = array<i32>} : memref<1x1024x3586xf32, #tpu.memory_space<vmem>>, vector<1x1024x2xf32>,
    return
  }
  func.func @transform_0(%arg0: i32) -> (i32, i32, i32) {
    %c0_i32 = arith.constant 0 : i32
    %c0_i32_0 = arith.constant 0 : i32
    %c0_i32_1 = arith.constant 0 : i32
    return %arg0, %c0_i32, %c0_i32_0 : i32, i32, i32
  }
  func.func @transform_1(%arg0: i32) -> (i32, i32, i32) {
    %c0_i32 = arith.constant 0 : i32
    %c0_i32_0 = arith.constant 0 : i32
    %c0_i32_1 = arith.constant 0 : i32
    return %arg0, %c0_i32, %c0_i32_0 : i32, i32, i32
  }
  func.func @transform_2(%arg0: i32) -> (i32, i32) {
    %c0_i32 = arith.constant 0 : i32
    %c0_i32_0 = arith.constant 0 : i32
    %c0_i32_1 = arith.constant 0 : i32
    return %c0_i32, %c0_i32_0 : i32, i32
  }
  func.func @transform_3(%arg0: i32) -> (i32, i32) {
    %c0_i32 = arith.constant 0 : i32
    %c0_i32_0 = arith.constant 0 : i32
    %c0_i32_1 = arith.constant 0 : i32
    return %c0_i32, %c0_i32_0 : i32, i32
  }
  func.func @transform_4(%arg0: i32) -> (i32, i32) {
    %c0_i32 = arith.constant 0 : i32
    %c0_i32_0 = arith.constant 0 : i32
    %c0_i32_1 = arith.constant 0 : i32
    return %c0_i32, %c0_i32_0 : i32, i32
  }
  func.func @transform_5(%arg0: i32) -> (i32, i32) {
    %c0_i32 = arith.constant 0 : i32
    %c0_i32_0 = arith.constant 0 : i32
    %c0_i32_1 = arith.constant 0 : i32
    return %c0_i32, %c0_i32_0 : i32, i32
  }
  func.func @transform_6(%arg0: i32) -> (i32, i32) {
    %c0_i32 = arith.constant 0 : i32
    %c0_i32_0 = arith.constant 0 : i32
    %c0_i32_1 = arith.constant 0 : i32
    return %c0_i32, %c0_i32_0 : i32, i32
  }
  func.func @transform_7(%arg0: i32) -> (i32, i32, i32) {
    %c0_i32 = arith.constant 0 : i32
    %c0_i32_0 = arith.constant 0 : i32
    %c0_i32_1 = arith.constant 0 : i32
    %c0_i32_2 = arith.constant 0 : i32
    return %c0_i32, %c0_i32_0, %c0_i32_1 : i32, i32, i32
  }
  func.func @transform_8(%arg0: i32) -> (i32, i32, i32) {
    %c0_i32 = arith.constant 0 : i32
    %c0_i32_0 = arith.constant 0 : i32
    %c0_i32_1 = arith.constant 0 : i32
    %c0_i32_2 = arith.constant 0 : i32
    return %c0_i32, %c0_i32_0, %c0_i32_1 : i32, i32, i32
  }
  func.func @transform_9(%arg0: i32) -> (i32, i32) {
    %c0_i32 = arith.constant 0 : i32
    %c0_i32_0 = arith.constant 0 : i32
    %c0_i32_1 = arith.constant 0 : i32
    return %c0_i32, %c0_i32_0 : i32, i32
  }
  func.func @transform_10(%arg0: i32) -> (i32, i32) {
    %c0_i32 = arith.constant 0 : i32
    %c0_i32_0 = arith.constant 0 : i32
    %c0_i32_1 = arith.constant 0 : i32
    return %c0_i32, %c0_i32_0 : i32, i32
  }
  func.func @transform_11(%arg0: i32) -> (i32, i32) {
    %c0_i32 = arith.constant 0 : i32
    %c0_i32_0 = arith.constant 0 : i32
    %c0_i32_1 = arith.constant 0 : i32
    return %c0_i32, %c0_i32_0 : i32, i32
  }
  func.func @transform_12(%arg0: i32) -> (i32, i32) {
    %c0_i32 = arith.constant 0 : i32
    %c0_i32_0 = arith.constant 0 : i32
    %c0_i32_1 = arith.constant 0 : i32
    return %c0_i32, %c0_i32_0 : i32, i32
  }
  func.func @transform_13(%arg0: i32) -> (i32, i32) {
    %c0_i32 = arith.constant 0 : i32
    %c0_i32_0 = arith.constant 0 : i32
    %c0_i32_1 = arith.constant 0 : i32
    return %c0_i32, %c0_i32_0 : i32, i32
  }
  func.func @transform_14(%arg0: i32) -> (i32, i32, i32) {
    %c0_i32 = arith.constant 0 : i32
    %c0_i32_0 = arith.constant 0 : i32
    %c0_i32_1 = arith.constant 0 : i32
    return %arg0, %c0_i32, %c0_i32_0 : i32, i32, i32
  }
}

</mosaic_0001>

<sc_bundles>
// kernel: kernel.4.cloned.1.call-start
scs
__scs_entry_jumppad:
0x0: {  	(pc) =	sbr.rel $0x88, $3  }
0x1: {  	(tag) =	ssettag $0x0;
	lr =	simm.s32 $0x1  }
0x2: {  	[smem:$0x3F94] =	sst lr;
	_ =	strace $0xD0000000  }
0x3: {  	_ = 	snop  }
0x4: {  	_ = 	snop  }
0x5: {  	_ = 	snop  }
0x6: {  	_ = 	snop  }
0x7: {  	_ = 	snop  }
__scs_overlays_trampoline_lowered:
0x8: {  	[smem:$0x3FA3] =	sst s0  }
0x9: {  	[smem:$0x3FA4] =	sst s1  }
0xa: {  	[smem:$0x3FA5] =	sst s2  }
0xb: {  	[smem:$0x3FA6] =	sst s3  }
0xc: {  	[smem:$0x3FA7] =	sst s4  }
0xd: {  	[smem:$0x3FA8] =	sst s5  }
0xe: {  	[smem:$0x3FA9] =	sst s6  }
0xf: {  	[smem:$0x3FAA] =	sst s7  }
0x10: {  	[smem:$0x3FAB] =	sst s8  }
0x11: {  	[smem:$0x3FAC] =	sst s9;
	s0 =	simm.s32 @!p0 $0x0  }
0x12: {  	s1 =	sld [smem:$0x3F92];
	s0 =	simm.s32 @p0 $0x1  }
0x13: {  	[smem:$0x3FAD] =	sst s0;
	s0 =	simm.s32 @!p1 $0x0  }
0x14: {  	s2 =	sld [smem:$0x3F91];
	s0 =	simm.s32 @p1 $0x1  }
0x15: {  	[smem:$0x3FAE] =	sst s0;
	s0 =	simm.s32 @!p2 $0x0  }
0x16: {  	s3 =	sld [smem:$0x3FDB];
	s0 =	simm.s32 @p2 $0x1  }
0x17: {  	s4 =	simm.s32 $0x1BF5;
	[smem:$0x3FB0] =	sst s0  }
0x18: {  	s0 =	sld [smem:$0x3F93];
	_ =	swait.ge [sflag:s4], $0x0  }
0x19: {  	s7 =	sld [smem:$0x3F94]  }
0x1a: {  	s8 =	sadd.s32 $0xFFFFE003, lr  }
0x1b: {  	s9 =	sadd.s32 $0xFFFFFEF7, lr;
	s5 =	simm.s32 $0xFFFFFFFF;
	p2 =	slt.u32 s8, $0xFFFFF086  }
0x1c: {  	p1 =	slt.u32 s9, $0xF7A;
	s5 =	simm.s32 @!p2 $0x0  }
0x1d: {  	s5 =	simm.s32 @p1 $0x1;
	p0 =	seq.s32 s7, s2  }
0x1e: {  	s7 =	smul.u32 @!p0 $0xF7A, s2;
	p2 =	seq.s32 @!p0 s5, $0x0  }
0x1f: {  	s9 =	smul.u32 $0xF7A, s1;
	s8 =	simm.s32 @!p0 $0x1BF5;
	p2 =	por !p2, p0  }
0x20: {  	[sflag:s8] =	ssyncset.s32 @!p0 $0xFFFFF086;
	s6 =	sadd.s32 @!p0 s3, s7;
	s7 =	simm.s32 @!p0 $0x108  }
0x21: {  	s3 =	sadd.s32 s3, s9;
	s6 =	sadd.s32 @!p0 $0x88, s6;
	s7 =	simm.s32 @p2 $0x1082  }
0x22: {  	[simem:s7], [sflag:s8] =	dma.local @!p0 [hbm:s6], $0xF7A  }
0x23: {  	s9 =	sor.u32 $0xD0000000, s2;
	s6 =	simm.s32 $0x108;
	_ =	swait.ge @!p0 [sflag:s8], $0x0  }
0x24: {  	s3 =	sadd.s32 $0x88, s3;
	s6 =	simm.s32 @!p1 $0x1082;
	[sflag:s4] =	ssyncset.s32 $0xFFFFF086  }
0x25: {  	[simem:s6], [sflag:s4] =	dma.local [hbm:s3], $0xF7A  }
0x26: {  	[smem:$0x3F94] =	sst s1;
	(tag) =	ssettag s2;
	_ =	strace s9  }
0x27: {  	s1 =	sld [smem:$0x3FA4]  }
0x28: {  	s2 =	sld [smem:$0x3FA5]  }
0x29: {  	s4 =	sld [smem:$0x3FA7]  }
0x2a: {  	p0 =	seq.s32 s5, $0x0;
	s5 =	sld [smem:$0x3FA8]  }
0x2b: {  	s6 =	sld [smem:$0x3FA9]  }
0x2c: {  	s7 =	sld [smem:$0x3FAA]  }
0x2d: {  	s3 =	simm.s32 $0x108;
	s8 =	sld [smem:$0x3FAB]  }
0x2e: {  	s3 =	simm.s32 @!p0 $0x1082;
	s9 =	sld [smem:$0x3FAC]  }
0x2f: {  	lr =	sadd.s32 s0, s3;
	s0 =	sld [smem:$0x3FA3]  }
0x30: {  	s3 =	sld [smem:$0x3FA6]  }
0x31: {  	[smem:$0x3FAF] =	sst s10  }
0x32: {  	s10 =	sld [smem:$0x3FAD];
	_ =	sdelay $0x3  }
0x33: {  	p0 =	seq.s32 s10, $0x1;
	s10 =	sld [smem:$0x3FAF];
	_ =	sdelay $0x3  }
0x34: {  	[smem:$0x3FAF] =	sst s10  }
0x35: {  	s10 =	sld [smem:$0x3FAE];
	_ =	sdelay $0x3  }
0x36: {  	p1 =	seq.s32 s10, $0x1;
	s10 =	sld [smem:$0x3FAF];
	_ =	sdelay $0x3  }
0x37: {  	[smem:$0x3FAF] =	sst s10  }
0x38: {  	s10 =	sld [smem:$0x3FB0]  }
0x39: {  	_ = 	snop;
	(pc) =	sbr.ind lr, $3  }
0x3a: {  	_ = 	snop  }
0x3b: {  	_ = 	snop  }
0x3c: {  	p2 =	seq.s32 s10, $0x1;
	s10 =	sld [smem:$0x3FAF]  }
0x3d: {  	_ =	shalt  }
0x3e: {  	_ =	shalt  }
0x3f: {  	_ =	shalt  }
0x40: {  	_ =	shalt  }
0x41: {  	_ =	shalt  }
0x42: {  	_ =	shalt  }
0x43: {  	_ =	shalt  }
0x44: {  	_ =	shalt  }
0x45: {  	_ =	shalt  }
0x46: {  	_ =	shalt  }
0x47: {  	_ =	shalt  }
0x48: {  	_ =	shalt  }
0x49: {  	_ =	shalt  }
0x4a: {  	_ =	shalt  }
0x4b: {  	_ =	shalt  }
0x4c: {  	_ =	shalt  }
0x4d: {  	_ =	shalt  }
0x4e: {  	_ =	shalt  }
0x4f: {  	_ =	shalt  }
0x50: {  	_ =	shalt  }
0x51: {  	_ =	shalt  }
0x52: {  	_ =	shalt  }
0x53: {  	_ =	shalt  }
0x54: {  	_ =	shalt  }
0x55: {  	_ =	shalt  }
0x56: {  	_ =	shalt  }
0x57: {  	_ =	shalt  }
0x58: {  	_ =	shalt  }
0x59: {  	_ =	shalt  }
0x5a: {  	_ =	shalt  }
0x5b: {  	_ =	shalt  }
0x5c: {  	_ =	shalt  }
0x5d: {  	_ =	shalt  }
0x5e: {  	_ =	shalt  }
0x5f: {  	_ =	shalt  }
0x60: {  	_ =	shalt  }
0x61: {  	_ =	shalt  }
0x62: {  	_ =	shalt  }
0x63: {  	_ =	shalt  }
0x64: {  	_ =	shalt  }
0x65: {  	_ =	shalt  }
0x66: {  	_ =	shalt  }
0x67: {  	_ =	shalt  }
0x68: {  	_ =	shalt  }
0x69: {  	_ =	shalt  }
0x6a: {  	_ =	shalt  }
0x6b: {  	_ =	shalt  }
0x6c: {  	_ =	shalt  }
0x6d: {  	_ =	shalt  }
0x6e: {  	_ =	shalt  }
0x6f: {  	_ =	shalt  }
0x70: {  	_ =	shalt  }
0x71: {  	_ =	shalt  }
0x72: {  	_ =	shalt  }
0x73: {  	_ =	shalt  }
0x74: {  	_ =	shalt  }
0x75: {  	_ =	shalt  }
0x76: {  	_ =	shalt  }
0x77: {  	_ =	shalt  }
0x78: {  	_ =	shalt  }
0x79: {  	_ =	shalt  }
0x7a: {  	_ =	shalt  }
0x7b: {  	_ =	shalt  }
0x7c: {  	_ =	shalt  }
0x7d: {  	_ =	shalt  }
0x7e: {  	_ =	shalt  }
0x7f: {  	_ =	shalt  }
0x80: {  	_ =	shalt  }
0x81: {  	_ =	shalt  }
0x82: {  	_ =	shalt  }
0x83: {  	_ =	shalt  }
0x84: {  	_ =	shalt  }
0x85: {  	_ =	shalt  }
0x86: {  	_ =	shalt  }
0x87: {  	_ =	shalt  }
.Lfunc_end0:
.L_simem_size_0:
called_computation_lowered:
.L_overlay_start_0:
0x88: {  	s2 =	sld [smem:$0x3FD9]  }
0x89: {  	s3 =	sld [smem:$0x3FFE];
	_ =	sdelay $0x1  }
0x8a: {  	s1 =	srdreg.scid  }
0x8b: {  	s0 =	sand.u32 $0x1, s1  }
0x8c: {  	s17 =	sshll.u32 s0, $0xA;
	s2 =	sadd.s32 s3, s2  }
0x8d: {  	s2 =	sadd.s32 s2, s17  }
0x8e: {  	[smem:$0x3FBB] =	sst s2  }
0x8f: {  	_ = 	snop  }
0x90: {  	s2 =	sld [smem:$0x3FC7];
	(tm) =	ssettm $0x1  }
0x91: {  	s18 =	sld [smem:$0x3FFB];
	_ =	sdelay $0x3  }
0x92: {  	_ =	strace s18  }
0x93: {  	s3 =	sld [smem:$0x3FFC];
	_ =	sdelay $0x3  }
0x94: {  	_ =	strace s3  }
0x95: {  	s3 =	sld [smem:$0x3FFD];
	_ =	sdelay $0x3  }
0x96: {  	_ =	strace s3  }
0x97: {  	_ =	strace $0x8FFFFFFF  }
0x98: {  	s19 =	sld [smem:$0x3FDB];
	_ =	sdelay $0x1  }
0x99: {  	s4 =	simm.s32 $_scs_section_size  }
0x9a: {  	s5 =	simm.s32 $_size__tile_overlayer_lowered;
	s6 =	simm.s32 $_tile_overlayer_lowered  }
0x9b: {  	s22 =	simm.s32 $0x1BFF;
	s21 =	sshll.u32 s6, $0x1;
	s3 =	sadd.s32 s4, s19  }
0x9c: {  	s7 =	simm.s32 $0x0;
	s20 =	sshll.u32 s5, $0x1;
	s5 =	sadd.s32 s21, s3  }
0x9d: {  	[timem:s7], [sflag:s22] =	dma.local [hbm:s5], s20  }
0x9e: {  	_ =	swait.ge [sflag:s22], s20  }
0x9f: {  	s4 =	ssub.s32 $0x0, s20;
	[sflag:s22] =	ssyncset.done $0x0  }
0xa0: {  	[sflag:s22] =	ssyncadd.s32 s4;
	_ =	sdelay $0x1  }
0xa1: {  	s23 =	simm.s32 $0x1B8B  }
0xa2: {  	_ =	swait.ge [sflag:s23], $0x1  }
0xa3: {  	[sflag:s23] =	ssyncset.done $0x0  }
0xa4: {  	s25 =	simm.s32 $0x1B8E;
	s24 =	sld [smem:$0x3FFE];
	[sflag:s23] =	ssyncadd.s32 $0xFFFFFFFF  }
0xa5: {  	s26 =	simm.s32 $execute0_lowered;
	[smem:$0x3FD2] =	sst s25  }
0xa6: {  	s5 =	sshll.u32 s26, $0x1;
	_ =	strace $0x80000046;
	[dreg:$0x1] =	wrdreg $0xFFFFFFFF  }
0xa7: {  	s28 =	simm.s32 $_size_execute0_lowered;
	s3 =	sadd.s32 s3, s5;
	[dreg:$0x0] =	wrdreg $0x0  }
0xa8: {  	s5 =	sshll.u32 s28, $0x1;
	[dreg:$0x2] =	wrdreg s3  }
0xa9: {  	[dreg:$0x3] =	wrdreg s5  }
0xaa: {  	[dreg:$0x4] =	wrdreg $0xC0  }
0xab: {  	_ =	task [dreg:s7], $0x5FFFF  }
0xac: {  	[dreg:$0x1] =	wrdreg $0xFFFFFFFF  }
0xad: {  	[dreg:$0x0] =	wrdreg $0x60  }
0xae: {  	[dreg:$0x2] =	wrdreg s2  }
0xaf: {  	[dreg:$0x3] =	wrdreg s24  }
0xb0: {  	[dreg:$0x4] =	wrdreg $0x9  }
0xb1: {  	_ =	task.clear_ibuf [dreg:s7], $0x5FFFF;
	_ =	strace $0x90000046  }
0xb2: {  	s29 =	simm.s32 $0x9;
	_ =	strace $0x80000048  }
0xb3: {  	_ =	swait.ge [sflag:s29], $0x1  }
0xb4: {  	[sflag:s29] =	ssyncadd.s32 $0xFFFFFFFF  }
0xb5: {  	_ =	strace $0x90000048  }
0xb6: {  	_ =	sfence  }
0xb7: {  	s30 =	sld [smem:$0x0];
	_ =	sdelay $0x2  }
0xb8: {  	s31 =	sshll.u32 s1, $0xD;
	s1 =	sshrl.u32 s1, $0x2  }
0xb9: {  	s3 =	sand.u32 $0x4000, s31;
	s1 =	sadd.s32 s1, s30  }
0xba: {  	s0 =	sor.u32 s3, s0;
	s1 =	sshll.u32 s1, $0x11  }
0xbb: {  	s0 =	sor.u32 s1, s0  }
0xbc: {  	s0 =	sadd.s32 $0x8F2B, s0  }
0xbd: {  	[sflag:s0] =	ssyncadd.remote.s32 $0x1  }
0xbe: {  	_ =	sfence.sel $0xFFFF  }
0xbf: {  	[dreg:$0x0] =	wrdreg $0xFFFFFFFF;
	(pc) =	sbr.abs _section_cstart, $3  }
0xc0: {  	[dreg:$0x1] =	wrdreg $0xFFFFFFFF  }
0xc1: {  	_ =	task.clear_ibuf [dreg:s7], $0x2FFFF;
	_ =	strace $0x9FFFFFFF  }
0xc2: {  	(tm) =	ssettm $0x7FFFFFFF  }
0xc3: {  	_ =	shalt  }
tec
execute0_lowered:
.L_overlay_start_1:
0x0: {  	(tag) =	ssettag $0x1  }
0x1: {  	s1 =	srdreg.scid  }
0x2: {  	s2 =	rddreg [dreg:$0x0];
	s0 =	stileid.u32;
	s19 =	sand.u32 $0x1, s1  }
0x3: {  	s15 =	rddreg [dreg:$0x1];
	s4 =	sshll.u32 s0, $0xB;
	s5 =	sshll.u32 s19, $0xA  }
0x4: {  	s3 =	simm.s32 $0x0;
	s1 =	rddreg [dreg:$0x2];
	s16 =	sor.u32 s5, s4  }
0x5: {  	[smem:$0x7FF] =	sst s3;
	s10 =	sadd.s32 $0x2000, s15;
	s4 =	sshrl.u32 s16, $0x3  }
0x6: {  	_ =	strace $0x80000047;
	s5 =	sadd.s32 s10, s4;
	s4 =	simm.s32 $0x3  }
0x7: {  	[tilespmem:s3], [sflag:$0x3] =	stream.linear.gather [hbm4b:s5+s3], $0x100, $0x38;
	[tilespmem:$0x10400] =	vst v63  }
0x8: {  	s17 =	sor.u32 $0x100, s16;
	_ =	swait.ge [sflag:s4], $0x100  }
0x9: {  	s6 =	sshrl.u32 s17, $0x3;
	[sflag:s4] =	ssyncset.done $0x0  }
0xa: {  	s7 =	simm.s32 $0x100;
	s6 =	sadd.s32 s10, s6;
	[sflag:s4] =	ssyncadd.s32 $0xFFFFFF00  }
0xb: {  	[tilespmem:s7], [sflag:$0x3] =	stream.linear.gather [hbm4b:s6+s3], $0x100, $0x38;
	[tilespmem:$0x10400] =	vst v63  }
0xc: {  	s18 =	sor.u32 $0x200, s16;
	_ =	swait.ge [sflag:s4], $0x100  }
0xd: {  	s8 =	sshrl.u32 s18, $0x3;
	[sflag:s4] =	ssyncset.done $0x0  }
0xe: {  	s9 =	simm.s32 $0x200;
	s8 =	sadd.s32 s10, s8;
	[sflag:s4] =	ssyncadd.s32 $0xFFFFFF00  }
0xf: {  	[tilespmem:s9], [sflag:$0x3] =	stream.linear.gather [hbm4b:s8+s3], $0x100, $0x38;
	[tilespmem:$0x10400] =	vst v63  }
0x10: {  	s20 =	sor.u32 $0x300, s16;
	_ =	swait.ge [sflag:s4], $0x100  }
0x11: {  	s11 =	sshrl.u32 s20, $0x3;
	[sflag:s4] =	ssyncset.done $0x0  }
0x12: {  	s10 =	sadd.s32 s10, s11;
	s11 =	simm.s32 $0x300;
	[sflag:s4] =	ssyncadd.s32 $0xFFFFFF00  }
0x13: {  	[tilespmem:s11], [sflag:$0x3] =	stream.linear.gather [hbm4b:s10+s3], $0x100, $0x38;
	[tilespmem:$0x10400] =	vst v63  }
0x14: {  	_ =	swait.ge [sflag:s4], $0x100  }
0x15: {  	[sflag:s4] =	ssyncset.done $0x0  }
0x16: {  	s12 =	simm.s32 $0x400;
	[sflag:s4] =	ssyncadd.s32 $0xFFFFFF00  }
0x17: {  	[tilespmem:s12], [sflag:$0x1] =	stream.indirect.gather [hbm4b:s2+s7], $0x80, s3, s7, $0xb8;
	[tilespmem:$0x10400] =	vst v63  }
0x18: {  	s13 =	simm.s32 $0x8400;
	s14 =	simm.s32 $0x1  }
0x19: {  	[tilespmem:s13], [sflag:$0x2] =	stream.indirect.gather [hbm4b:s2+s7], $0x80, s7, s7, $0xb8;
	[tilespmem:$0x10400] =	vst v63  }
0x1a: {  	_ =	swait.ge [sflag:s14], $0x8000  }
0x1b: {  	s21 =	sadd.s32 $0x3000, s15;
	s29 =	sshll.u32 s16, $0x4;
	[sflag:s14] =	ssyncset.done $0x0  }
0x1c: {  	s15 =	sadd.s32 s21, s29;
	[sflag:s14] =	ssyncadd.s32 $0xFFFF8000  }
0x1d: {  	[hbm4b:s15+s3] =	stream.linear.scatter [tilespmem:s12], [sflag:$0x3], $0x8000, $0x38;
	[tilespmem:$0x10400] =	vst v63  }
0x1e: {  	_ =	swait.ge [sflag:s4], $0x8000  }
0x1f: {  	[sflag:s4] =	ssyncset.done $0x0  }
0x20: {  	s16 =	simm.s32 $0x2;
	[sflag:s4] =	ssyncadd.s32 $0xFFFF8000  }
0x21: {  	[tilespmem:s12], [sflag:$0x1] =	stream.indirect.gather [hbm4b:s2+s7], $0x80, s9, s7, $0xb8;
	[tilespmem:$0x10400] =	vst v63  }
0x22: {  	_ =	swait.ge [sflag:s16], $0x8000  }
0x23: {  	s17 =	sshll.u32 s17, $0x4;
	[sflag:s16] =	ssyncset.done $0x0  }
0x24: {  	s17 =	sadd.s32 s21, s17;
	[sflag:s16] =	ssyncadd.s32 $0xFFFF8000  }
0x25: {  	[hbm4b:s17+s3] =	stream.linear.scatter [tilespmem:s13], [sflag:$0x3], $0x8000, $0x38;
	[tilespmem:$0x10400] =	vst v63  }
0x26: {  	_ =	swait.ge [sflag:s4], $0x8000  }
0x27: {  	[sflag:s4] =	ssyncset.done $0x0  }
0x28: {  	[sflag:s4] =	ssyncadd.s32 $0xFFFF8000  }
0x29: {  	[tilespmem:s13], [sflag:$0x2] =	stream.indirect.gather [hbm4b:s2+s7], $0x80, s11, s7, $0xb8;
	[tilespmem:$0x10400] =	vst v63  }
0x2a: {  	_ =	swait.ge [sflag:s14], $0x8000  }
0x2b: {  	s18 =	sshll.u32 s18, $0x4;
	[sflag:s14] =	ssyncset.done $0x0  }
0x2c: {  	s19 =	ssub.s32 $0x2, s19;
	s18 =	sadd.s32 s21, s18;
	[sflag:s14] =	ssyncadd.s32 $0xFFFF8000  }
0x2d: {  	[hbm4b:s18+s3] =	stream.linear.scatter [tilespmem:s12], [sflag:$0x3], $0x8000, $0x38;
	[tilespmem:$0x10400] =	vst v63  }
0x2e: {  	s22 =	sshrl.u32 s19, $0x1;
	_ =	swait.ge [sflag:s4], $0x8000  }
0x2f: {  	s22 =	ssub.s32 s19, s22;
	[sflag:s4] =	ssyncset.done $0x0  }
0x30: {  	s31 =	smax.u32 s22, $0x1;
	[sflag:s4] =	ssyncadd.s32 $0xFFFF8000  }
0x31: {  	p0 =	sne.s32 s31, $0x1;
	_ =	swait.ge [sflag:s16], $0x8000  }
.Ltmp0:
0x32: {  	s30 =	sshll.u32 s20, $0x4;
	[sflag:s16] =	ssyncset.done $0x0;
	(pc) =	sbr.rel @!p0 .LBB2_2-.Ltmp0, $4  }
0x33: {  	s19 =	sadd.s32 s21, s30;
	[sflag:s16] =	ssyncadd.s32 $0xFFFF8000  }
0x34: {  	[hbm4b:s19+s3] =	stream.linear.scatter [tilespmem:s13], [sflag:$0x3], $0x8000, $0x38;
	[tilespmem:$0x10400] =	vst v63  }
0x35: {  	_ =	swait.ge [sflag:s4], $0x8000  }
0x36: {  	s20 =	sadd.s32 $0xFFFFFFFF, s31;
	[sflag:s4] =	ssyncset.done $0x0  }
.LBB2_1:
0x37: {  	p0 =	sne.s32 s20, $0x1;
	s20 =	sadd.s32 $0xFFFFFFFF, s20;
	[sflag:s4] =	ssyncadd.s32 $0xFFFF8000  }
0x38: {  	[tilespmem:s3], [sflag:$0x3] =	stream.linear.gather [hbm4b:s5+s3], $0x100, $0x38;
	[tilespmem:$0x10400] =	vst v63  }
0x39: {  	_ =	swait.ge [sflag:s4], $0x100  }
0x3a: {  	[sflag:s4] =	ssyncset.done $0x0  }
0x3b: {  	[sflag:s4] =	ssyncadd.s32 $0xFFFFFF00  }
0x3c: {  	[tilespmem:s7], [sflag:$0x3] =	stream.linear.gather [hbm4b:s6+s3], $0x100, $0x38;
	[tilespmem:$0x10400] =	vst v63  }
0x3d: {  	_ =	swait.ge [sflag:s4], $0x100  }
0x3e: {  	[sflag:s4] =	ssyncset.done $0x0  }
0x3f: {  	[sflag:s4] =	ssyncadd.s32 $0xFFFFFF00  }
0x40: {  	[tilespmem:s9], [sflag:$0x3] =	stream.linear.gather [hbm4b:s8+s3], $0x100, $0x38;
	[tilespmem:$0x10400] =	vst v63  }
0x41: {  	_ =	swait.ge [sflag:s4], $0x100  }
0x42: {  	[sflag:s4] =	ssyncset.done $0x0  }
0x43: {  	[sflag:s4] =	ssyncadd.s32 $0xFFFFFF00  }
0x44: {  	[tilespmem:s11], [sflag:$0x3] =	stream.linear.gather [hbm4b:s10+s3], $0x100, $0x38;
	[tilespmem:$0x10400] =	vst v63  }
0x45: {  	_ =	swait.ge [sflag:s4], $0x100  }
0x46: {  	[sflag:s4] =	ssyncset.done $0x0  }
0x47: {  	[sflag:s4] =	ssyncadd.s32 $0xFFFFFF00  }
0x48: {  	[tilespmem:s12], [sflag:$0x1] =	stream.indirect.gather [hbm4b:s2+s7], $0x80, s3, s7, $0xb8;
	[tilespmem:$0x10400] =	vst v63  }
0x49: {  	_ = 	snop  }
0x4a: {  	[tilespmem:s13], [sflag:$0x2] =	stream.indirect.gather [hbm4b:s2+s7], $0x80, s7, s7, $0xb8;
	[tilespmem:$0x10400] =	vst v63  }
0x4b: {  	_ =	swait.ge [sflag:s14], $0x8000  }
0x4c: {  	[sflag:s14] =	ssyncset.done $0x0  }
0x4d: {  	[sflag:s14] =	ssyncadd.s32 $0xFFFF8000  }
0x4e: {  	[hbm4b:s15+s3] =	stream.linear.scatter [tilespmem:s12], [sflag:$0x3], $0x8000, $0x38;
	[tilespmem:$0x10400] =	vst v63  }
0x4f: {  	_ =	swait.ge [sflag:s4], $0x8000  }
0x50: {  	[sflag:s4] =	ssyncset.done $0x0  }
0x51: {  	[sflag:s4] =	ssyncadd.s32 $0xFFFF8000  }
0x52: {  	[tilespmem:s12], [sflag:$0x1] =	stream.indirect.gather [hbm4b:s2+s7], $0x80, s9, s7, $0xb8;
	[tilespmem:$0x10400] =	vst v63  }
0x53: {  	_ =	swait.ge [sflag:s16], $0x8000  }
0x54: {  	[sflag:s16] =	ssyncset.done $0x0  }
0x55: {  	[sflag:s16] =	ssyncadd.s32 $0xFFFF8000  }
0x56: {  	[hbm4b:s17+s3] =	stream.linear.scatter [tilespmem:s13], [sflag:$0x3], $0x8000, $0x38;
	[tilespmem:$0x10400] =	vst v63  }
0x57: {  	_ =	swait.ge [sflag:s4], $0x8000  }
0x58: {  	[sflag:s4] =	ssyncset.done $0x0  }
0x59: {  	[sflag:s4] =	ssyncadd.s32 $0xFFFF8000  }
0x5a: {  	[tilespmem:s13], [sflag:$0x2] =	stream.indirect.gather [hbm4b:s2+s7], $0x80, s11, s7, $0xb8;
	[tilespmem:$0x10400] =	vst v63  }
0x5b: {  	_ =	swait.ge [sflag:s14], $0x8000  }
0x5c: {  	[sflag:s14] =	ssyncset.done $0x0  }
0x5d: {  	[sflag:s14] =	ssyncadd.s32 $0xFFFF8000  }
0x5e: {  	[hbm4b:s18+s3] =	stream.linear.scatter [tilespmem:s12], [sflag:$0x3], $0x8000, $0x38;
	[tilespmem:$0x10400] =	vst v63  }
0x5f: {  	_ =	swait.ge [sflag:s4], $0x8000  }
0x60: {  	[sflag:s4] =	ssyncset.done $0x0  }
0x61: {  	[sflag:s4] =	ssyncadd.s32 $0xFFFF8000  }
0x62: {  	_ =	swait.ge [sflag:s16], $0x8000  }
.Ltmp1:
0x63: {  	[sflag:s16] =	ssyncset.done $0x0;
	(pc) =	sbr.rel @p0 .LBB2_1-.Ltmp1, $4  }
0x64: {  	[sflag:s16] =	ssyncadd.s32 $0xFFFF8000  }
0x65: {  	[hbm4b:s19+s3] =	stream.linear.scatter [tilespmem:s13], [sflag:$0x3], $0x8000, $0x38;
	[tilespmem:$0x10400] =	vst v63  }
0x66: {  	_ =	swait.ge [sflag:s4], $0x8000  }
0x67: {  	[sflag:s4] =	ssyncset.done $0x0  }
.LBB2_2:
0x68: {  	[sflag:s4] =	ssyncadd.s32 $0xFFFF8000  }
0x69: {  	_ =	sfence.sel $0x180000  }
0x6a: {  	[bflag:$0x0] =	sbarrier.arrive $0xFFFF  }
0x6b: {  	p0 =	sne.s32 s0, $0x0;
	_ =	strace $0x90000047  }
0x6c: {  	s0 =	sadd.s32 @!p0 $0x100000, s1;
	[bflag:$0x2] =	sbarrier.arrive $0xFFFF  }
0x6d: {  	[sflag:s0] =	ssyncadd.tile.s32 @!p0 $0x1;
	_ =	shalt  }
.Lfunc_end2:
_tile_overlayer_lowered:
.L_overlay_start_2:
0x6e: {  	(tag) =	ssettag $0x2  }
0x6f: {  	s0 =	rddreg [dreg:$0x0];
	s2 =	stileid.u32  }
0x70: {  	s1 =	rddreg [dreg:$0x1];
	p0 =	sne.s32 s2, $0x0  }
0x71: {  	s3 =	rddreg [dreg:$0x2];
	[bflag:$0x3] =	sbarrier.arrive $0xFFFF;
	s2 =	simm.s32 @!p0 $0x1C03  }
0x72: {  	[timem:s3], [sflag:s2] =	dma.local @!p0 [hbm:s0], s1  }
0x73: {  	s0 =	simm.s32 @!p0 $0x3  }
0x74: {  	_ =	swait.ge @!p0 [sflag:s0], s1  }
0x75: {  	s1 =	ssub.s32 @!p0 $0x0, s1;
	[sflag:s0] =	ssyncset.done @!p0 $0x0  }
0x76: {  	[sflag:s0] =	ssyncadd.s32 @!p0 s1  }
0x77: {  	[bflag:$0x3] =	sbarrier.arrive $0xFFFF  }
0x78: {  	_ =	shalt  }

</sc_bundles>
